<compile_context>
chip_gen: v7x
topology: tpu7x:2x2x1
jax: 0.10.2.dev20260603
libtpu: 0.0.44.dev20260713+nightly
codegen_flags: <defaults>
</compile_context>

<pallas_src>
import jax
import jax.numpy as jnp
from jax import lax
from jax.experimental import pallas as pl
from jax.experimental.pallas import tpu as pltpu
from jax.experimental.pallas import tpu_sc as plsc

NUM_EMB = 1000
EMB_DIM = 128
BATCH = 16384
LANES = 16
EPS = 1e-6
MARGIN = 1.0

_info = plsc.get_sparse_core_info()
_NC, _NS = _info.num_cores, _info.num_subcores
NW = _NC * _NS
B_PER_W = BATCH // NW
N_VECS = B_PER_W // LANES
N_STREAMS = B_PER_W // 128


V_PAD = 1024
N_CT = V_PAD // EMB_DIM


def _tc_gram_body(tf_ref, d2_ref):
    tf = tf_ref[...]
    n = jnp.sum(tf * tf, axis=1, keepdims=True)
    s = jnp.sum(tf, axis=1, keepdims=True)
    m = n + (2.0 * EPS) * s + EMB_DIM * EPS * EPS
    tfp = jnp.pad(tf, ((0, V_PAD - NUM_EMB), (0, 0)))
    g = lax.dot_general(tf, tfp, (((1,), (1,)), ((), ())),
                        preferred_element_type=jnp.float32)
    tt = jnp.transpose(tfp)
    w = (jnp.sum(tt * tt, axis=0, keepdims=True)
         - (2.0 * EPS) * jnp.sum(tt, axis=0, keepdims=True))
    for t in range(N_CT):
        lo, hi = t * EMB_DIM, (t + 1) * EMB_DIM
        d2_ref[t] = m + w[:, lo:hi] - 2.0 * g[:, lo:hi]


_tc_gram = pl.pallas_call(
    _tc_gram_body,
    out_shape=jax.ShapeDtypeStruct((N_CT, NUM_EMB, EMB_DIM), jnp.float32),
    in_specs=[pl.BlockSpec(memory_space=pltpu.VMEM)],
    out_specs=pl.BlockSpec(memory_space=pltpu.VMEM),
)


def _rsqrt_newton(x):
    i = lax.bitcast_convert_type(x, jnp.int32)
    r = lax.bitcast_convert_type(jnp.int32(0x5F3759DF) - (i >> 1), jnp.float32)
    hx = 0.5 * x
    for _ in range(3):
        r = r * (1.5 - hx * r * r)
    return r


def _sc_body(d2_hbm, a_hbm, p_hbm, n_hbm, out_hbm,
             idx_a, idx_p, idx_n, fa_ap, fa_an, g_ap, g_an, accv, sem):
    wid = lax.axis_index("s") * _NC + lax.axis_index("c")
    base = wid * B_PER_W

    ca = pltpu.async_copy(a_hbm.at[pl.ds(base, B_PER_W)], idx_a, sem)
    cp = pltpu.async_copy(p_hbm.at[pl.ds(base, B_PER_W)], idx_p, sem)
    cn = pltpu.async_copy(n_hbm.at[pl.ds(base, B_PER_W)], idx_n, sem)
    ca.wait()
    cp.wait()
    cn.wait()

    @plsc.parallel_loop(0, N_VECS, step=1, unroll=2)
    def fa_body(t):
        sl = pl.ds(t * LANES, LANES)
        abase = idx_a[sl] << 7
        p = idx_p[sl]
        fa_ap[sl] = (p >> 7) * (NUM_EMB * EMB_DIM) + abase + (p & 127)
        n = idx_n[sl]
        fa_an[sl] = (n >> 7) * (NUM_EMB * EMB_DIM) + abase + (n & 127)

    descs = []
    for t in range(N_STREAMS):
        sl = pl.ds(t * 128, 128)
        descs.append(pltpu.async_copy(d2_hbm.at[fa_ap.at[sl]], g_ap.at[sl], sem))
        descs.append(pltpu.async_copy(d2_hbm.at[fa_an.at[sl]], g_an.at[sl], sem))
    for d in descs:
        d.wait()

    def loss_body(t, acc):
        sl = pl.ds(t * LANES, LANES)
        x_ap = jnp.maximum(g_ap[sl], 1e-12)
        x_an = jnp.maximum(g_an[sl], 1e-12)
        d_ap = x_ap * _rsqrt_newton(x_ap)
        d_an = x_an * _rsqrt_newton(x_an)
        return acc + jnp.maximum(d_ap - d_an + MARGIN, 0.0)

    acc = lax.fori_loop(0, N_VECS, loss_body, jnp.zeros((LANES,), jnp.float32))
    accv[...] = acc
    pltpu.sync_copy(accv, out_hbm.at[pl.ds(wid * LANES, LANES)])


_sc_pair_loss = pl.kernel(
    _sc_body,
    mesh=plsc.VectorSubcoreMesh(core_axis_name="c", subcore_axis_name="s"),
    compiler_params=pltpu.CompilerParams(use_tc_tiling_on_sc=False),
    out_type=jax.ShapeDtypeStruct((NW * LANES,), jnp.float32),
    scratch_types=[
        pltpu.VMEM((B_PER_W,), jnp.int32),
        pltpu.VMEM((B_PER_W,), jnp.int32),
        pltpu.VMEM((B_PER_W,), jnp.int32),
        pltpu.VMEM((B_PER_W,), jnp.int32),
        pltpu.VMEM((B_PER_W,), jnp.int32),
        pltpu.VMEM((B_PER_W,), jnp.float32),
        pltpu.VMEM((B_PER_W,), jnp.float32),
        pltpu.VMEM((LANES,), jnp.float32),
        pltpu.SemaphoreType.DMA,
    ],
)


def kernel(anchor, positive, negative, table):
    d2 = _tc_gram(table)
    d2_flat = d2.reshape(-1)
    parts = _sc_pair_loss(
        d2_flat, anchor.astype(jnp.int32), positive.astype(jnp.int32),
        negative.astype(jnp.int32))
    return jnp.sum(parts) / BATCH

# --- scband reference (transcript-rebuilt; emitter-appended) ---
"""Pipeline reference for scband-my-model-61933428414916 (READ-ONLY COPY).

The authoritative reference and input builder live on the scoring server;
editing this copy changes nothing except your own understanding.
"""

import jax, jax.numpy as jnp
import numpy as np

NUM_EMB = 1000
EMB_DIM = 128
BATCH = 16384

def setup_inputs(seed: int = 0) -> dict:
    key = jax.random.key(seed)
    k1, k2, k3, k4 = jax.random.split(key, 4)
    anchor = jax.random.randint(k1, (BATCH,), 0, NUM_EMB, dtype=jnp.int64 if jax.config.jax_enable_x64 else jnp.int32)
    positive = jax.random.randint(k2, (BATCH,), 0, NUM_EMB, dtype=jnp.int64 if jax.config.jax_enable_x64 else jnp.int32)
    negative = jax.random.randint(k3, (BATCH,), 0, NUM_EMB, dtype=jnp.int64 if jax.config.jax_enable_x64 else jnp.int32)
    table = jax.random.normal(k4, (NUM_EMB, EMB_DIM), dtype=jnp.float32)
    return {"anchor": anchor, "positive": positive, "negative": negative, "table": table}

def reference(anchor, positive, negative, table):
    # nn.Embedding lookup -> gather
    a = jnp.take(table, anchor, axis=0)
    p = jnp.take(table, positive, axis=0)
    n = jnp.take(table, negative, axis=0)
    # nn.PairwiseDistance: ||x1 - x2 + eps||_2 with eps=1e-6
    eps = 1e-6
    d_ap = jnp.sqrt(jnp.sum(jnp.square(a - p + eps), axis=-1))
    d_an = jnp.sqrt(jnp.sum(jnp.square(a - n + eps), axis=-1))
    # TripletMarginWithDistanceLoss: mean(clamp(d_ap - d_an + margin, min=0)), margin=1.0
    loss = jnp.mean(jnp.maximum(d_ap - d_an + 1.0, 0.0))
    return loss

if __name__ == "__main__":
    import jax
    _d = setup_inputs()
    print(jax.jit(kernel)(*tuple(_d.values())))

</pallas_src>

<mosaic_0001>
#map = affine_map<(d0, d1) -> (0)>
module attributes {stable_mosaic.version = 14 : i64} {
  func.func @_sc_body(%arg0: i32, %arg1: i32, %arg2: memref<1024000xf32, #tpu.memory_space<hbm>>, %arg3: memref<16384xi32, #tpu.memory_space<hbm>>, %arg4: memref<16384xi32, #tpu.memory_space<hbm>>, %arg5: memref<16384xi32, #tpu.memory_space<hbm>>, %arg6: memref<512xf32, #tpu.memory_space<hbm>>, %arg7: memref<512xi32, #tpu.memory_space<vmem>>, %arg8: memref<512xi32, #tpu.memory_space<vmem>>, %arg9: memref<512xi32, #tpu.memory_space<vmem>>, %arg10: memref<512xi32, #tpu.memory_space<vmem>>, %arg11: memref<512xi32, #tpu.memory_space<vmem>>, %arg12: memref<512xf32, #tpu.memory_space<vmem>>, %arg13: memref<512xf32, #tpu.memory_space<vmem>>, %arg14: memref<16xf32, #tpu.memory_space<vmem>>, %arg15: memref<!tpu.dma_semaphore, #tpu.memory_space<semaphore_mem>>) attributes {dimension_semantics = [#tpu.dimension_semantics<core_parallel>, #tpu.dimension_semantics<subcore_parallel>], iteration_bounds = array<i64: 2, 16>, scalar_prefetch = 0 : i64, scratch_operands = 9 : i64, tpu.core_type = #tpu.core_type<sc_vector_subcore>, window_params = [{transform_indices = #map}, {transform_indices = #map}, {transform_indices = #map}, {transform_indices = #map}, {transform_indices = #map}]} {
    %mul3A = arith.constant 2 : i32
    %mul3A_0 = arith.muli %arg1, %mul3A : i32
    %add3A = arith.addi %mul3A_0, %arg0 : i32
    %mul3A_1 = arith.constant 512 : i32
    %mul3A_2 = arith.muli %add3A, %mul3A_1 : i32
    %dma_start3A = tpu.memref_slice %arg3[%mul3A_2] : memref<16384xi32, #tpu.memory_space<hbm>> -> memref<512xi32, #tpu.memory_space<hbm>>
    %dma_start3A_3 = tpu.memref_slice %arg3[%mul3A_2] : memref<16384xi32, #tpu.memory_space<hbm>> -> memref<512xi32, #tpu.memory_space<hbm>>
    tpu.enqueue_dma source(%dma_start3A_3 : memref<512xi32, #tpu.memory_space<hbm>>) target(%arg7 : memref<512xi32, #tpu.memory_space<vmem>>) target_semaphore(%arg15 : memref<!tpu.dma_semaphore, #tpu.memory_space<semaphore_mem>>)
    %dma_start3A_4 = tpu.memref_slice %arg4[%mul3A_2] : memref<16384xi32, #tpu.memory_space<hbm>> -> memref<512xi32, #tpu.memory_space<hbm>>
    %dma_start3A_5 = tpu.memref_slice %arg4[%mul3A_2] : memref<16384xi32, #tpu.memory_space<hbm>> -> memref<512xi32, #tpu.memory_space<hbm>>
    tpu.enqueue_dma source(%dma_start3A_5 : memref<512xi32, #tpu.memory_space<hbm>>) target(%arg8 : memref<512xi32, #tpu.memory_space<vmem>>) target_semaphore(%arg15 : memref<!tpu.dma_semaphore, #tpu.memory_space<semaphore_mem>>)
    %dma_start3A_6 = tpu.memref_slice %arg5[%mul3A_2] : memref<16384xi32, #tpu.memory_space<hbm>> -> memref<512xi32, #tpu.memory_space<hbm>>
    %dma_start3A_7 = tpu.memref_slice %arg5[%mul3A_2] : memref<16384xi32, #tpu.memory_space<hbm>> -> memref<512xi32, #tpu.memory_space<hbm>>
    tpu.enqueue_dma source(%dma_start3A_7 : memref<512xi32, #tpu.memory_space<hbm>>) target(%arg9 : memref<512xi32, #tpu.memory_space<vmem>>) target_semaphore(%arg15 : memref<!tpu.dma_semaphore, #tpu.memory_space<semaphore_mem>>)
    %dma_wait3A = tpu.memref_slice %arg3[%mul3A_2] : memref<16384xi32, #tpu.memory_space<hbm>> -> memref<512xi32, #tpu.memory_space<hbm>>
    %dma_wait3A_8 = tpu.memref_slice %arg3[%mul3A_2] : memref<16384xi32, #tpu.memory_space<hbm>> -> memref<512xi32, #tpu.memory_space<hbm>>
    tpu.wait_dma2 semaphore(%arg15 : memref<!tpu.dma_semaphore, #tpu.memory_space<semaphore_mem>>) src(%dma_wait3A_8 : memref<512xi32, #tpu.memory_space<hbm>>) dst(%arg7 : memref<512xi32, #tpu.memory_space<vmem>>)
    %dma_wait3A_9 = tpu.memref_slice %arg4[%mul3A_2] : memref<16384xi32, #tpu.memory_space<hbm>> -> memref<512xi32, #tpu.memory_space<hbm>>
    %dma_wait3A_10 = tpu.memref_slice %arg4[%mul3A_2] : memref<16384xi32, #tpu.memory_space<hbm>> -> memref<512xi32, #tpu.memory_space<hbm>>
    tpu.wait_dma2 semaphore(%arg15 : memref<!tpu.dma_semaphore, #tpu.memory_space<semaphore_mem>>) src(%dma_wait3A_10 : memref<512xi32, #tpu.memory_space<hbm>>) dst(%arg8 : memref<512xi32, #tpu.memory_space<vmem>>)
    %dma_wait3A_11 = tpu.memref_slice %arg5[%mul3A_2] : memref<16384xi32, #tpu.memory_space<hbm>> -> memref<512xi32, #tpu.memory_space<hbm>>
    %dma_wait3A_12 = tpu.memref_slice %arg5[%mul3A_2] : memref<16384xi32, #tpu.memory_space<hbm>> -> memref<512xi32, #tpu.memory_space<hbm>>
    tpu.wait_dma2 semaphore(%arg15 : memref<!tpu.dma_semaphore, #tpu.memory_space<semaphore_mem>>) src(%dma_wait3A_12 : memref<512xi32, #tpu.memory_space<hbm>>) dst(%arg9 : memref<512xi32, #tpu.memory_space<vmem>>)
    %parallel_loop3A = arith.constant 0 : i32
    %parallel_loop3A_13 = arith.constant 32 : i32
    %parallel_loop3A_14 = arith.constant 1 : i32
    scf.for %parallel_loop3A_122 = %parallel_loop3A to %parallel_loop3A_13 step %parallel_loop3A_14  : i32 {
      %parallel_loop3A_123 = arith.constant 16 : i32
      %parallel_loop3A_124 = arith.muli %parallel_loop3A_122, %parallel_loop3A_123 : i32
      %parallel_loop3A_125 = arith.index_cast %parallel_loop3A_124 : i32 to index
      %parallel_loop3A_126 = tpu.vector_load %arg7[%parallel_loop3A_125] {strides = array<i32>} : memref<512xi32, #tpu.memory_space<vmem>>, vector<16xi32>,
      %parallel_loop3A_127 = vector.shape_cast %parallel_loop3A_126 : vector<16xi32> to vector<16xi32>
      %parallel_loop3A_128 = arith.constant 7 : i32
      %parallel_loop3A_129 = vector.broadcast %parallel_loop3A_128 : i32 to vector<16xi32>
      %parallel_loop3A_130 = arith.shli %parallel_loop3A_127, %parallel_loop3A_129 : vector<16xi32>
      %parallel_loop3A_131 = arith.index_cast %parallel_loop3A_124 : i32 to index
      %parallel_loop3A_132 = tpu.vector_load %arg8[%parallel_loop3A_131] {strides = array<i32>} : memref<512xi32, #tpu.memory_space<vmem>>, vector<16xi32>,
      %parallel_loop3A_133 = vector.shape_cast %parallel_loop3A_132 : vector<16xi32> to vector<16xi32>
      %parallel_loop3A_134 = arith.constant 7 : i32
      %parallel_loop3A_135 = vector.broadcast %parallel_loop3A_134 : i32 to vector<16xi32>
      %parallel_loop3A_136 = arith.shrsi %parallel_loop3A_133, %parallel_loop3A_135 : vector<16xi32>
      %parallel_loop3A_137 = arith.constant 128000 : i32
      %parallel_loop3A_138 = vector.broadcast %parallel_loop3A_137 : i32 to vector<16xi32>
      %parallel_loop3A_139 = arith.muli %parallel_loop3A_136, %parallel_loop3A_138 : vector<16xi32>
      %parallel_loop3A_140 = arith.addi %parallel_loop3A_139, %parallel_loop3A_130 : vector<16xi32>
      %parallel_loop3A_141 = arith.constant 127 : i32
      %parallel_loop3A_142 = vector.broadcast %parallel_loop3A_141 : i32 to vector<16xi32>
      %parallel_loop3A_143 = arith.andi %parallel_loop3A_133, %parallel_loop3A_142 : vector<16xi32>
      %parallel_loop3A_144 = arith.addi %parallel_loop3A_140, %parallel_loop3A_143 : vector<16xi32>
      %parallel_loop3A_145 = arith.index_cast %parallel_loop3A_124 : i32 to index
      %parallel_loop3A_146 = tpu.vector_load %arg10[%parallel_loop3A_145] {strides = array<i32>} : memref<512xi32, #tpu.memory_space<vmem>>, vector<16xi32>,
      %parallel_loop3A_147 = vector.shape_cast %parallel_loop3A_146 : vector<16xi32> to vector<16xi32>
      %parallel_loop3A_148 = vector.shape_cast %parallel_loop3A_144 : vector<16xi32> to vector<16xi32>
      tpu.vector_store %arg10[%parallel_loop3A_145], %parallel_loop3A_148 {strides = array<i32>} : memref<512xi32, #tpu.memory_space<vmem>>, vector<16xi32>,
      %parallel_loop3A_149 = arith.index_cast %parallel_loop3A_124 : i32 to index
      %parallel_loop3A_150 = tpu.vector_load %arg9[%parallel_loop3A_149] {strides = array<i32>} : memref<512xi32, #tpu.memory_space<vmem>>, vector<16xi32>,
      %parallel_loop3A_151 = vector.shape_cast %parallel_loop3A_150 : vector<16xi32> to vector<16xi32>
      %parallel_loop3A_152 = arith.constant 7 : i32
      %parallel_loop3A_153 = vector.broadcast %parallel_loop3A_152 : i32 to vector<16xi32>
      %parallel_loop3A_154 = arith.shrsi %parallel_loop3A_151, %parallel_loop3A_153 : vector<16xi32>
      %parallel_loop3A_155 = arith.constant 128000 : i32
      %parallel_loop3A_156 = vector.broadcast %parallel_loop3A_155 : i32 to vector<16xi32>
      %parallel_loop3A_157 = arith.muli %parallel_loop3A_154, %parallel_loop3A_156 : vector<16xi32>
      %parallel_loop3A_158 = arith.addi %parallel_loop3A_157, %parallel_loop3A_130 : vector<16xi32>
      %parallel_loop3A_159 = arith.constant 127 : i32
      %parallel_loop3A_160 = vector.broadcast %parallel_loop3A_159 : i32 to vector<16xi32>
      %parallel_loop3A_161 = arith.andi %parallel_loop3A_151, %parallel_loop3A_160 : vector<16xi32>
      %parallel_loop3A_162 = arith.addi %parallel_loop3A_158, %parallel_loop3A_161 : vector<16xi32>
      %parallel_loop3A_163 = arith.index_cast %parallel_loop3A_124 : i32 to index
      %parallel_loop3A_164 = tpu.vector_load %arg11[%parallel_loop3A_163] {strides = array<i32>} : memref<512xi32, #tpu.memory_space<vmem>>, vector<16xi32>,
      %parallel_loop3A_165 = vector.shape_cast %parallel_loop3A_164 : vector<16xi32> to vector<16xi32>
      %parallel_loop3A_166 = vector.shape_cast %parallel_loop3A_162 : vector<16xi32> to vector<16xi32>
      tpu.vector_store %arg11[%parallel_loop3A_163], %parallel_loop3A_166 {strides = array<i32>} : memref<512xi32, #tpu.memory_space<vmem>>, vector<16xi32>,
    } {sc.loop_unroll_factor = 2 : i64, sc.parallel_access}
    %dma_start3A_15 = arith.constant 0 : i32
    %dma_start3A_16 = tpu.memref_slice %arg12[%dma_start3A_15] : memref<512xf32, #tpu.memory_space<vmem>> -> memref<128xf32, #tpu.memory_space<vmem>>
    %dma_start3A_17 = arith.constant 0 : i32
    %dma_start3A_18 = tpu.memref_slice %arg10[%dma_start3A_17] : memref<512xi32, #tpu.memory_space<vmem>> -> memref<128xi32, #tpu.memory_space<vmem>>
    %dma_start3A_19 = arith.constant 0 : i32
    %dma_start3A_20 = tpu.memref_slice %arg2[%dma_start3A_19] : memref<1024000xf32, #tpu.memory_space<hbm>> -> memref<1024000xf32, #tpu.memory_space<hbm>>
    tpu.enqueue_indirect_dma source(%dma_start3A_20 : memref<1024000xf32, #tpu.memory_space<hbm>>) target(%dma_start3A_16 : memref<128xf32, #tpu.memory_space<vmem>>) offsets(%dma_start3A_18 : memref<128xi32, #tpu.memory_space<vmem>>) semaphore(%arg15 : memref<!tpu.dma_semaphore, #tpu.memory_space<semaphore_mem>>)
    %dma_start3A_21 = arith.constant 0 : i32
    %dma_start3A_22 = tpu.memref_slice %arg13[%dma_start3A_21] : memref<512xf32, #tpu.memory_space<vmem>> -> memref<128xf32, #tpu.memory_space<vmem>>
    %dma_start3A_23 = arith.constant 0 : i32
    %dma_start3A_24 = tpu.memref_slice %arg11[%dma_start3A_23] : memref<512xi32, #tpu.memory_space<vmem>> -> memref<128xi32, #tpu.memory_space<vmem>>
    %dma_start3A_25 = arith.constant 0 : i32
    %dma_start3A_26 = tpu.memref_slice %arg2[%dma_start3A_25] : memref<1024000xf32, #tpu.memory_space<hbm>> -> memref<1024000xf32, #tpu.memory_space<hbm>>
    tpu.enqueue_indirect_dma source(%dma_start3A_26 : memref<1024000xf32, #tpu.memory_space<hbm>>) target(%dma_start3A_22 : memref<128xf32, #tpu.memory_space<vmem>>) offsets(%dma_start3A_24 : memref<128xi32, #tpu.memory_space<vmem>>) semaphore(%arg15 : memref<!tpu.dma_semaphore, #tpu.memory_space<semaphore_mem>>)
    %dma_start3A_27 = arith.constant 128 : i32
    %dma_start3A_28 = tpu.memref_slice %arg12[%dma_start3A_27] : memref<512xf32, #tpu.memory_space<vmem>> -> memref<128xf32, #tpu.memory_space<vmem>>
    %dma_start3A_29 = arith.constant 128 : i32
    %dma_start3A_30 = tpu.memref_slice %arg10[%dma_start3A_29] : memref<512xi32, #tpu.memory_space<vmem>> -> memref<128xi32, #tpu.memory_space<vmem>>
    %dma_start3A_31 = arith.constant 0 : i32
    %dma_start3A_32 = tpu.memref_slice %arg2[%dma_start3A_31] : memref<1024000xf32, #tpu.memory_space<hbm>> -> memref<1024000xf32, #tpu.memory_space<hbm>>
    tpu.enqueue_indirect_dma source(%dma_start3A_32 : memref<1024000xf32, #tpu.memory_space<hbm>>) target(%dma_start3A_28 : memref<128xf32, #tpu.memory_space<vmem>>) offsets(%dma_start3A_30 : memref<128xi32, #tpu.memory_space<vmem>>) semaphore(%arg15 : memref<!tpu.dma_semaphore, #tpu.memory_space<semaphore_mem>>)
    %dma_start3A_33 = arith.constant 128 : i32
    %dma_start3A_34 = tpu.memref_slice %arg13[%dma_start3A_33] : memref<512xf32, #tpu.memory_space<vmem>> -> memref<128xf32, #tpu.memory_space<vmem>>
    %dma_start3A_35 = arith.constant 128 : i32
    %dma_start3A_36 = tpu.memref_slice %arg11[%dma_start3A_35] : memref<512xi32, #tpu.memory_space<vmem>> -> memref<128xi32, #tpu.memory_space<vmem>>
    %dma_start3A_37 = arith.constant 0 : i32
    %dma_start3A_38 = tpu.memref_slice %arg2[%dma_start3A_37] : memref<1024000xf32, #tpu.memory_space<hbm>> -> memref<1024000xf32, #tpu.memory_space<hbm>>
    tpu.enqueue_indirect_dma source(%dma_start3A_38 : memref<1024000xf32, #tpu.memory_space<hbm>>) target(%dma_start3A_34 : memref<128xf32, #tpu.memory_space<vmem>>) offsets(%dma_start3A_36 : memref<128xi32, #tpu.memory_space<vmem>>) semaphore(%arg15 : memref<!tpu.dma_semaphore, #tpu.memory_space<semaphore_mem>>)
    %dma_start3A_39 = arith.constant 256 : i32
    %dma_start3A_40 = tpu.memref_slice %arg12[%dma_start3A_39] : memref<512xf32, #tpu.memory_space<vmem>> -> memref<128xf32, #tpu.memory_space<vmem>>
    %dma_start3A_41 = arith.constant 256 : i32
    %dma_start3A_42 = tpu.memref_slice %arg10[%dma_start3A_41] : memref<512xi32, #tpu.memory_space<vmem>> -> memref<128xi32, #tpu.memory_space<vmem>>
    %dma_start3A_43 = arith.constant 0 : i32
    %dma_start3A_44 = tpu.memref_slice %arg2[%dma_start3A_43] : memref<1024000xf32, #tpu.memory_space<hbm>> -> memref<1024000xf32, #tpu.memory_space<hbm>>
    tpu.enqueue_indirect_dma source(%dma_start3A_44 : memref<1024000xf32, #tpu.memory_space<hbm>>) target(%dma_start3A_40 : memref<128xf32, #tpu.memory_space<vmem>>) offsets(%dma_start3A_42 : memref<128xi32, #tpu.memory_space<vmem>>) semaphore(%arg15 : memref<!tpu.dma_semaphore, #tpu.memory_space<semaphore_mem>>)
    %dma_start3A_45 = arith.constant 256 : i32
    %dma_start3A_46 = tpu.memref_slice %arg13[%dma_start3A_45] : memref<512xf32, #tpu.memory_space<vmem>> -> memref<128xf32, #tpu.memory_space<vmem>>
    %dma_start3A_47 = arith.constant 256 : i32
    %dma_start3A_48 = tpu.memref_slice %arg11[%dma_start3A_47] : memref<512xi32, #tpu.memory_space<vmem>> -> memref<128xi32, #tpu.memory_space<vmem>>
    %dma_start3A_49 = arith.constant 0 : i32
    %dma_start3A_50 = tpu.memref_slice %arg2[%dma_start3A_49] : memref<1024000xf32, #tpu.memory_space<hbm>> -> memref<1024000xf32, #tpu.memory_space<hbm>>
    tpu.enqueue_indirect_dma source(%dma_start3A_50 : memref<1024000xf32, #tpu.memory_space<hbm>>) target(%dma_start3A_46 : memref<128xf32, #tpu.memory_space<vmem>>) offsets(%dma_start3A_48 : memref<128xi32, #tpu.memory_space<vmem>>) semaphore(%arg15 : memref<!tpu.dma_semaphore, #tpu.memory_space<semaphore_mem>>)
    %dma_start3A_51 = arith.constant 384 : i32
    %dma_start3A_52 = tpu.memref_slice %arg12[%dma_start3A_51] : memref<512xf32, #tpu.memory_space<vmem>> -> memref<128xf32, #tpu.memory_space<vmem>>
    %dma_start3A_53 = arith.constant 384 : i32
    %dma_start3A_54 = tpu.memref_slice %arg10[%dma_start3A_53] : memref<512xi32, #tpu.memory_space<vmem>> -> memref<128xi32, #tpu.memory_space<vmem>>
    %dma_start3A_55 = arith.constant 0 : i32
    %dma_start3A_56 = tpu.memref_slice %arg2[%dma_start3A_55] : memref<1024000xf32, #tpu.memory_space<hbm>> -> memref<1024000xf32, #tpu.memory_space<hbm>>
    tpu.enqueue_indirect_dma source(%dma_start3A_56 : memref<1024000xf32, #tpu.memory_space<hbm>>) target(%dma_start3A_52 : memref<128xf32, #tpu.memory_space<vmem>>) offsets(%dma_start3A_54 : memref<128xi32, #tpu.memory_space<vmem>>) semaphore(%arg15 : memref<!tpu.dma_semaphore, #tpu.memory_space<semaphore_mem>>)
    %dma_start3A_57 = arith.constant 384 : i32
    %dma_start3A_58 = tpu.memref_slice %arg13[%dma_start3A_57] : memref<512xf32, #tpu.memory_space<vmem>> -> memref<128xf32, #tpu.memory_space<vmem>>
    %dma_start3A_59 = arith.constant 384 : i32
    %dma_start3A_60 = tpu.memref_slice %arg11[%dma_start3A_59] : memref<512xi32, #tpu.memory_space<vmem>> -> memref<128xi32, #tpu.memory_space<vmem>>
    %dma_start3A_61 = arith.constant 0 : i32
    %dma_start3A_62 = tpu.memref_slice %arg2[%dma_start3A_61] : memref<1024000xf32, #tpu.memory_space<hbm>> -> memref<1024000xf32, #tpu.memory_space<hbm>>
    tpu.enqueue_indirect_dma source(%dma_start3A_62 : memref<1024000xf32, #tpu.memory_space<hbm>>) target(%dma_start3A_58 : memref<128xf32, #tpu.memory_space<vmem>>) offsets(%dma_start3A_60 : memref<128xi32, #tpu.memory_space<vmem>>) semaphore(%arg15 : memref<!tpu.dma_semaphore, #tpu.memory_space<semaphore_mem>>)
    %dma_wait3A_63 = arith.constant 0 : i32
    %dma_wait3A_64 = tpu.memref_slice %arg12[%dma_wait3A_63] : memref<512xf32, #tpu.memory_space<vmem>> -> memref<128xf32, #tpu.memory_space<vmem>>
    %dma_wait3A_65 = arith.constant 0 : i32
    %dma_wait3A_66 = tpu.memref_slice %arg10[%dma_wait3A_65] : memref<512xi32, #tpu.memory_space<vmem>> -> memref<128xi32, #tpu.memory_space<vmem>>
    %dma_wait3A_67 = arith.constant 0 : i32
    %dma_wait3A_68 = tpu.memref_slice %arg2[%dma_wait3A_67] : memref<1024000xf32, #tpu.memory_space<hbm>> -> memref<1024000xf32, #tpu.memory_space<hbm>>
    tpu.wait_indirect_dma semaphore(%arg15 : memref<!tpu.dma_semaphore, #tpu.memory_space<semaphore_mem>>) src(%dma_wait3A_68 : memref<1024000xf32, #tpu.memory_space<hbm>>) dst(%dma_wait3A_64 : memref<128xf32, #tpu.memory_space<vmem>>)
    %dma_wait3A_69 = arith.constant 0 : i32
    %dma_wait3A_70 = tpu.memref_slice %arg13[%dma_wait3A_69] : memref<512xf32, #tpu.memory_space<vmem>> -> memref<128xf32, #tpu.memory_space<vmem>>
    %dma_wait3A_71 = arith.constant 0 : i32
    %dma_wait3A_72 = tpu.memref_slice %arg11[%dma_wait3A_71] : memref<512xi32, #tpu.memory_space<vmem>> -> memref<128xi32, #tpu.memory_space<vmem>>
    %dma_wait3A_73 = arith.constant 0 : i32
    %dma_wait3A_74 = tpu.memref_slice %arg2[%dma_wait3A_73] : memref<1024000xf32, #tpu.memory_space<hbm>> -> memref<1024000xf32, #tpu.memory_space<hbm>>
    tpu.wait_indirect_dma semaphore(%arg15 : memref<!tpu.dma_semaphore, #tpu.memory_space<semaphore_mem>>) src(%dma_wait3A_74 : memref<1024000xf32, #tpu.memory_space<hbm>>) dst(%dma_wait3A_70 : memref<128xf32, #tpu.memory_space<vmem>>)
    %dma_wait3A_75 = arith.constant 128 : i32
    %dma_wait3A_76 = tpu.memref_slice %arg12[%dma_wait3A_75] : memref<512xf32, #tpu.memory_space<vmem>> -> memref<128xf32, #tpu.memory_space<vmem>>
    %dma_wait3A_77 = arith.constant 128 : i32
    %dma_wait3A_78 = tpu.memref_slice %arg10[%dma_wait3A_77] : memref<512xi32, #tpu.memory_space<vmem>> -> memref<128xi32, #tpu.memory_space<vmem>>
    %dma_wait3A_79 = arith.constant 0 : i32
    %dma_wait3A_80 = tpu.memref_slice %arg2[%dma_wait3A_79] : memref<1024000xf32, #tpu.memory_space<hbm>> -> memref<1024000xf32, #tpu.memory_space<hbm>>
    tpu.wait_indirect_dma semaphore(%arg15 : memref<!tpu.dma_semaphore, #tpu.memory_space<semaphore_mem>>) src(%dma_wait3A_80 : memref<1024000xf32, #tpu.memory_space<hbm>>) dst(%dma_wait3A_76 : memref<128xf32, #tpu.memory_space<vmem>>)
    %dma_wait3A_81 = arith.constant 128 : i32
    %dma_wait3A_82 = tpu.memref_slice %arg13[%dma_wait3A_81] : memref<512xf32, #tpu.memory_space<vmem>> -> memref<128xf32, #tpu.memory_space<vmem>>
    %dma_wait3A_83 = arith.constant 128 : i32
    %dma_wait3A_84 = tpu.memref_slice %arg11[%dma_wait3A_83] : memref<512xi32, #tpu.memory_space<vmem>> -> memref<128xi32, #tpu.memory_space<vmem>>
    %dma_wait3A_85 = arith.constant 0 : i32
    %dma_wait3A_86 = tpu.memref_slice %arg2[%dma_wait3A_85] : memref<1024000xf32, #tpu.memory_space<hbm>> -> memref<1024000xf32, #tpu.memory_space<hbm>>
    tpu.wait_indirect_dma semaphore(%arg15 : memref<!tpu.dma_semaphore, #tpu.memory_space<semaphore_mem>>) src(%dma_wait3A_86 : memref<1024000xf32, #tpu.memory_space<hbm>>) dst(%dma_wait3A_82 : memref<128xf32, #tpu.memory_space<vmem>>)
    %dma_wait3A_87 = arith.constant 256 : i32
    %dma_wait3A_88 = tpu.memref_slice %arg12[%dma_wait3A_87] : memref<512xf32, #tpu.memory_space<vmem>> -> memref<128xf32, #tpu.memory_space<vmem>>
    %dma_wait3A_89 = arith.constant 256 : i32
    %dma_wait3A_90 = tpu.memref_slice %arg10[%dma_wait3A_89] : memref<512xi32, #tpu.memory_space<vmem>> -> memref<128xi32, #tpu.memory_space<vmem>>
    %dma_wait3A_91 = arith.constant 0 : i32
    %dma_wait3A_92 = tpu.memref_slice %arg2[%dma_wait3A_91] : memref<1024000xf32, #tpu.memory_space<hbm>> -> memref<1024000xf32, #tpu.memory_space<hbm>>
    tpu.wait_indirect_dma semaphore(%arg15 : memref<!tpu.dma_semaphore, #tpu.memory_space<semaphore_mem>>) src(%dma_wait3A_92 : memref<1024000xf32, #tpu.memory_space<hbm>>) dst(%dma_wait3A_88 : memref<128xf32, #tpu.memory_space<vmem>>)
    %dma_wait3A_93 = arith.constant 256 : i32
    %dma_wait3A_94 = tpu.memref_slice %arg13[%dma_wait3A_93] : memref<512xf32, #tpu.memory_space<vmem>> -> memref<128xf32, #tpu.memory_space<vmem>>
    %dma_wait3A_95 = arith.constant 256 : i32
    %dma_wait3A_96 = tpu.memref_slice %arg11[%dma_wait3A_95] : memref<512xi32, #tpu.memory_space<vmem>> -> memref<128xi32, #tpu.memory_space<vmem>>
    %dma_wait3A_97 = arith.constant 0 : i32
    %dma_wait3A_98 = tpu.memref_slice %arg2[%dma_wait3A_97] : memref<1024000xf32, #tpu.memory_space<hbm>> -> memref<1024000xf32, #tpu.memory_space<hbm>>
    tpu.wait_indirect_dma semaphore(%arg15 : memref<!tpu.dma_semaphore, #tpu.memory_space<semaphore_mem>>) src(%dma_wait3A_98 : memref<1024000xf32, #tpu.memory_space<hbm>>) dst(%dma_wait3A_94 : memref<128xf32, #tpu.memory_space<vmem>>)
    %dma_wait3A_99 = arith.constant 384 : i32
    %dma_wait3A_100 = tpu.memref_slice %arg12[%dma_wait3A_99] : memref<512xf32, #tpu.memory_space<vmem>> -> memref<128xf32, #tpu.memory_space<vmem>>
    %dma_wait3A_101 = arith.constant 384 : i32
    %dma_wait3A_102 = tpu.memref_slice %arg10[%dma_wait3A_101] : memref<512xi32, #tpu.memory_space<vmem>> -> memref<128xi32, #tpu.memory_space<vmem>>
    %dma_wait3A_103 = arith.constant 0 : i32
    %dma_wait3A_104 = tpu.memref_slice %arg2[%dma_wait3A_103] : memref<1024000xf32, #tpu.memory_space<hbm>> -> memref<1024000xf32, #tpu.memory_space<hbm>>
    tpu.wait_indirect_dma semaphore(%arg15 : memref<!tpu.dma_semaphore, #tpu.memory_space<semaphore_mem>>) src(%dma_wait3A_104 : memref<1024000xf32, #tpu.memory_space<hbm>>) dst(%dma_wait3A_100 : memref<128xf32, #tpu.memory_space<vmem>>)
    %dma_wait3A_105 = arith.constant 384 : i32
    %dma_wait3A_106 = tpu.memref_slice %arg13[%dma_wait3A_105] : memref<512xf32, #tpu.memory_space<vmem>> -> memref<128xf32, #tpu.memory_space<vmem>>
    %dma_wait3A_107 = arith.constant 384 : i32
    %dma_wait3A_108 = tpu.memref_slice %arg11[%dma_wait3A_107] : memref<512xi32, #tpu.memory_space<vmem>> -> memref<128xi32, #tpu.memory_space<vmem>>
    %dma_wait3A_109 = arith.constant 0 : i32
    %dma_wait3A_110 = tpu.memref_slice %arg2[%dma_wait3A_109] : memref<1024000xf32, #tpu.memory_space<hbm>> -> memref<1024000xf32, #tpu.memory_space<hbm>>
    tpu.wait_indirect_dma semaphore(%arg15 : memref<!tpu.dma_semaphore, #tpu.memory_space<semaphore_mem>>) src(%dma_wait3A_110 : memref<1024000xf32, #tpu.memory_space<hbm>>) dst(%dma_wait3A_106 : memref<128xf32, #tpu.memory_space<vmem>>)
    %broadcast_in_dim3A = arith.constant 0.000000e+00 : f32
    %broadcast_in_dim3A_111 = vector.broadcast %broadcast_in_dim3A : f32 to vector<16xf32>
    %scan3A = arith.constant 0 : i32
    %scan3A_112 = arith.constant 32 : i32
    %scan3A_113 = arith.addi %scan3A, %scan3A_112 : i32
    %scan3A_114 = arith.constant 1 : i32
    %scan3A_115 = scf.for %scan3A_122 = %scan3A to %scan3A_113 step %scan3A_114 iter_args(%scan3A_123 = %broadcast_in_dim3A_111) -> (vector<16xf32>)  : i32 {
      %mul3A_124 = arith.constant 16 : i32
      %mul3A_125 = arith.muli %scan3A_122, %mul3A_124 : i32
      %get3A = arith.index_cast %mul3A_125 : i32 to index
      %get3A_126 = tpu.vector_load %arg12[%get3A] {strides = array<i32>} : memref<512xf32, #tpu.memory_space<vmem>>, vector<16xf32>,
      %get3A_127 = vector.shape_cast %get3A_126 : vector<16xf32> to vector<16xf32>
      %max3A = arith.constant 9.99999996E-13 : f32
      %max3A_128 = vector.broadcast %max3A : f32 to vector<16xf32>
      %max3A_129 = arith.maximumf %get3A_127, %max3A_128 : vector<16xf32>
      %get3A_130 = arith.index_cast %mul3A_125 : i32 to index
      %get3A_131 = tpu.vector_load %arg13[%get3A_130] {strides = array<i32>} : memref<512xf32, #tpu.memory_space<vmem>>, vector<16xf32>,
      %get3A_132 = vector.shape_cast %get3A_131 : vector<16xf32> to vector<16xf32>
      %max3A_133 = arith.constant 9.99999996E-13 : f32
      %max3A_134 = vector.broadcast %max3A_133 : f32 to vector<16xf32>
      %max3A_135 = arith.maximumf %get3A_132, %max3A_134 : vector<16xf32>
      %bitcast_convert_type3A = tpu.bitcast %max3A_129 : vector<16xf32> -> vector<16xi32>
      %shift_right_arithmetic3A = arith.constant 1 : i32
      %shift_right_arithmetic3A_136 = vector.broadcast %shift_right_arithmetic3A : i32 to vector<16xi32>
      %shift_right_arithmetic3A_137 = arith.shrsi %bitcast_convert_type3A, %shift_right_arithmetic3A_136 : vector<16xi32>
      %sub3A = arith.constant 1597463007 : i32
      %sub3A_138 = vector.broadcast %sub3A : i32 to vector<16xi32>
      %sub3A_139 = arith.subi %sub3A_138, %shift_right_arithmetic3A_137 : vector<16xi32>
      %bitcast_convert_type3A_140 = tpu.bitcast %sub3A_139 : vector<16xi32> -> vector<16xf32>
      %mul3A_141 = arith.constant 5.000000e-01 : f32
      %mul3A_142 = vector.broadcast %mul3A_141 : f32 to vector<16xf32>
      %mul3A_143 = arith.mulf %mul3A_142, %max3A_129 : vector<16xf32>
      %mul3A_144 = arith.mulf %mul3A_143, %bitcast_convert_type3A_140 : vector<16xf32>
      %mul3A_145 = arith.mulf %mul3A_144, %bitcast_convert_type3A_140 : vector<16xf32>
      %sub3A_146 = arith.constant 1.500000e+00 : f32
      %sub3A_147 = vector.broadcast %sub3A_146 : f32 to vector<16xf32>
      %sub3A_148 = arith.subf %sub3A_147, %mul3A_145 : vector<16xf32>
      %mul3A_149 = arith.mulf %bitcast_convert_type3A_140, %sub3A_148 : vector<16xf32>
      %mul3A_150 = arith.mulf %mul3A_143, %mul3A_149 : vector<16xf32>
      %mul3A_151 = arith.mulf %mul3A_150, %mul3A_149 : vector<16xf32>
      %sub3A_152 = arith.constant 1.500000e+00 : f32
      %sub3A_153 = vector.broadcast %sub3A_152 : f32 to vector<16xf32>
      %sub3A_154 = arith.subf %sub3A_153, %mul3A_151 : vector<16xf32>
      %mul3A_155 = arith.mulf %mul3A_149, %sub3A_154 : vector<16xf32>
      %mul3A_156 = arith.mulf %mul3A_143, %mul3A_155 : vector<16xf32>
      %mul3A_157 = arith.mulf %mul3A_156, %mul3A_155 : vector<16xf32>
      %sub3A_158 = arith.constant 1.500000e+00 : f32
      %sub3A_159 = vector.broadcast %sub3A_158 : f32 to vector<16xf32>
      %sub3A_160 = arith.subf %sub3A_159, %mul3A_157 : vector<16xf32>
      %mul3A_161 = arith.mulf %mul3A_155, %sub3A_160 : vector<16xf32>
      %mul3A_162 = arith.mulf %max3A_129, %mul3A_161 : vector<16xf32>
      %bitcast_convert_type3A_163 = tpu.bitcast %max3A_135 : vector<16xf32> -> vector<16xi32>
      %shift_right_arithmetic3A_164 = arith.constant 1 : i32
      %shift_right_arithmetic3A_165 = vector.broadcast %shift_right_arithmetic3A_164 : i32 to vector<16xi32>
      %shift_right_arithmetic3A_166 = arith.shrsi %bitcast_convert_type3A_163, %shift_right_arithmetic3A_165 : vector<16xi32>
      %sub3A_167 = arith.constant 1597463007 : i32
      %sub3A_168 = vector.broadcast %sub3A_167 : i32 to vector<16xi32>
      %sub3A_169 = arith.subi %sub3A_168, %shift_right_arithmetic3A_166 : vector<16xi32>
      %bitcast_convert_type3A_170 = tpu.bitcast %sub3A_169 : vector<16xi32> -> vector<16xf32>
      %mul3A_171 = arith.constant 5.000000e-01 : f32
      %mul3A_172 = vector.broadcast %mul3A_171 : f32 to vector<16xf32>
      %mul3A_173 = arith.mulf %mul3A_172, %max3A_135 : vector<16xf32>
      %mul3A_174 = arith.mulf %mul3A_173, %bitcast_convert_type3A_170 : vector<16xf32>
      %mul3A_175 = arith.mulf %mul3A_174, %bitcast_convert_type3A_170 : vector<16xf32>
      %sub3A_176 = arith.constant 1.500000e+00 : f32
      %sub3A_177 = vector.broadcast %sub3A_176 : f32 to vector<16xf32>
      %sub3A_178 = arith.subf %sub3A_177, %mul3A_175 : vector<16xf32>
      %mul3A_179 = arith.mulf %bitcast_convert_type3A_170, %sub3A_178 : vector<16xf32>
      %mul3A_180 = arith.mulf %mul3A_173, %mul3A_179 : vector<16xf32>
      %mul3A_181 = arith.mulf %mul3A_180, %mul3A_179 : vector<16xf32>
      %sub3A_182 = arith.constant 1.500000e+00 : f32
      %sub3A_183 = vector.broadcast %sub3A_182 : f32 to vector<16xf32>
      %sub3A_184 = arith.subf %sub3A_183, %mul3A_181 : vector<16xf32>
      %mul3A_185 = arith.mulf %mul3A_179, %sub3A_184 : vector<16xf32>
      %mul3A_186 = arith.mulf %mul3A_173, %mul3A_185 : vector<16xf32>
      %mul3A_187 = arith.mulf %mul3A_186, %mul3A_185 : vector<16xf32>
      %sub3A_188 = arith.constant 1.500000e+00 : f32
      %sub3A_189 = vector.broadcast %sub3A_188 : f32 to vector<16xf32>
      %sub3A_190 = arith.subf %sub3A_189, %mul3A_187 : vector<16xf32>
      %mul3A_191 = arith.mulf %mul3A_185, %sub3A_190 : vector<16xf32>
      %mul3A_192 = arith.mulf %max3A_135, %mul3A_191 : vector<16xf32>
      %sub3A_193 = arith.subf %mul3A_162, %mul3A_192 : vector<16xf32>
      %add3A_194 = arith.constant 1.000000e+00 : f32
      %add3A_195 = vector.broadcast %add3A_194 : f32 to vector<16xf32>
      %add3A_196 = arith.addf %sub3A_193, %add3A_195 : vector<16xf32>
      %max3A_197 = arith.constant 0.000000e+00 : f32
      %max3A_198 = vector.broadcast %max3A_197 : f32 to vector<16xf32>
      %max3A_199 = arith.maximumf %add3A_196, %max3A_198 : vector<16xf32>
      %add3A_200 = arith.addf %scan3A_123, %max3A_199 : vector<16xf32>
      scf.yield %add3A_200 : vector<16xf32>
    }
    %scan3A_116 = arith.constant 32 : i32
    %swap3A = arith.constant 0 : index
    %swap3A_117 = tpu.vector_load %arg14[%swap3A] {strides = array<i32>} : memref<16xf32, #tpu.memory_space<vmem>>, vector<16xf32>,
    %swap3A_118 = vector.shape_cast %swap3A_117 : vector<16xf32> to vector<16xf32>
    %swap3A_119 = vector.shape_cast %scan3A_115 : vector<16xf32> to vector<16xf32>
    tpu.vector_store %arg14[%swap3A], %swap3A_119 {strides = array<i32>} : memref<16xf32, #tpu.memory_space<vmem>>, vector<16xf32>,
    %mul3A_120 = arith.constant 16 : i32
    %mul3A_121 = arith.muli %add3A, %mul3A_120 : i32
    "tpu.region"() ({
      %run_scoped3A = tpu.sem_alloc : memref<!tpu.dma_semaphore, #tpu.memory_space<semaphore_mem>>
      %dma_start3A_122 = tpu.memref_slice %arg6[%mul3A_121] : memref<512xf32, #tpu.memory_space<hbm>> -> memref<16xf32, #tpu.memory_space<hbm>>
      %dma_start3A_123 = tpu.memref_slice %arg6[%mul3A_121] : memref<512xf32, #tpu.memory_space<hbm>> -> memref<16xf32, #tpu.memory_space<hbm>>
      tpu.enqueue_dma source(%arg14 : memref<16xf32, #tpu.memory_space<vmem>>) target(%dma_start3A_123 : memref<16xf32, #tpu.memory_space<hbm>>) target_semaphore(%run_scoped3A : memref<!tpu.dma_semaphore, #tpu.memory_space<semaphore_mem>>)
      %dma_wait3A_124 = tpu.memref_slice %arg6[%mul3A_121] : memref<512xf32, #tpu.memory_space<hbm>> -> memref<16xf32, #tpu.memory_space<hbm>>
      %dma_wait3A_125 = tpu.memref_slice %arg6[%mul3A_121] : memref<512xf32, #tpu.memory_space<hbm>> -> memref<16xf32, #tpu.memory_space<hbm>>
      tpu.wait_dma2 semaphore(%run_scoped3A : memref<!tpu.dma_semaphore, #tpu.memory_space<semaphore_mem>>) src(%arg14 : memref<16xf32, #tpu.memory_space<vmem>>) dst(%dma_wait3A_125 : memref<16xf32, #tpu.memory_space<hbm>>)
      tpu.yield
    }) : () -> ()
    return
  }
}

module attributes {stable_mosaic.version = 14 : i64} {
  func.func @_tc_gram_body(%arg0: memref<1000x128xf32, #tpu.memory_space<vmem>>, %arg1: memref<8x1000x128xf32, #tpu.memory_space<vmem>>) attributes {dimension_semantics = [], scalar_prefetch = 0 : i64, scratch_operands = 0 : i64, tpu.core_type = #tpu.core_type<tc>} {
    %get3A = arith.constant 0 : index
    %get3A_0 = arith.constant 0 : index
    %get3A_1 = vector.load %arg0[%get3A, %get3A_0] : memref<1000x128xf32, #tpu.memory_space<vmem>>, vector<1000x128xf32>
    %mul3A = arith.mulf %get3A_1, %get3A_1 : vector<1000x128xf32>
    %reduce_sum3A = arith.constant dense<0.000000e+00> : vector<1000xf32>
    %reduce_sum3A_2 = vector.multi_reduction <add>, %mul3A, %reduce_sum3A [1] : vector<1000x128xf32> to vector<1000xf32>
    %broadcast_in_dim3A = vector.shape_cast %reduce_sum3A_2 : vector<1000xf32> to vector<1000x1xf32>
    %reduce_sum3A_3 = arith.constant dense<0.000000e+00> : vector<1000xf32>
    %reduce_sum3A_4 = vector.multi_reduction <add>, %get3A_1, %reduce_sum3A_3 [1] : vector<1000x128xf32> to vector<1000xf32>
    %broadcast_in_dim3A_5 = vector.shape_cast %reduce_sum3A_4 : vector<1000xf32> to vector<1000x1xf32>
    %mul3A_6 = arith.constant 2.000000e-06 : f32
    %mul3A_7 = vector.broadcast %mul3A_6 : f32 to vector<1000x1xf32>
    %mul3A_8 = arith.mulf %mul3A_7, %broadcast_in_dim3A_5 : vector<1000x1xf32>
    %add3A = arith.addf %broadcast_in_dim3A, %mul3A_8 : vector<1000x1xf32>
    %add3A_9 = arith.constant 1.280000e-10 : f32
    %add3A_10 = vector.broadcast %add3A_9 : f32 to vector<1000x1xf32>
    %add3A_11 = arith.addf %add3A, %add3A_10 : vector<1000x1xf32>
    %jit3A = arith.constant 0 : i32
    %convert_element_type3A = arith.sitofp %jit3A : i32 to f32
    %pad3A = vector.broadcast %convert_element_type3A : f32 to vector<24x128xf32>
    %pad3A_12 = tpu.concatenate %get3A_1, %pad3A in 0 : vector<1000x128xf32>, vector<24x128xf32> -> vector<1024x128xf32>
    %dot_general3A = arith.constant dense<0.000000e+00> : vector<1000x1024xf32>
    %dot_general3A_13 = tpu.matmul %get3A_1, %pad3A_12, %dot_general3A {dimension_numbers = #tpu.dot_dimension_numbers<[1], [1], [0], [0], [0, 0, 1, 0], [], []>, transpose_lhs_hint = false} : vector<1000x128xf32>, vector<1024x128xf32>, vector<1000x1024xf32> -> vector<1000x1024xf32>
    %transpose3A = tpu.transpose %pad3A_12, [1, 0] : vector<1024x128xf32> -> vector<128x1024xf32>
    %mul3A_14 = arith.mulf %transpose3A, %transpose3A : vector<128x1024xf32>
    %reduce_sum3A_15 = arith.constant dense<0.000000e+00> : vector<1024xf32>
    %reduce_sum3A_16 = vector.multi_reduction <add>, %mul3A_14, %reduce_sum3A_15 [0] : vector<128x1024xf32> to vector<1024xf32>
    %broadcast_in_dim3A_17 = vector.shape_cast %reduce_sum3A_16 : vector<1024xf32> to vector<1x1024xf32>
    %reduce_sum3A_18 = arith.constant dense<0.000000e+00> : vector<1024xf32>
    %reduce_sum3A_19 = vector.multi_reduction <add>, %transpose3A, %reduce_sum3A_18 [0] : vector<128x1024xf32> to vector<1024xf32>
    %broadcast_in_dim3A_20 = vector.shape_cast %reduce_sum3A_19 : vector<1024xf32> to vector<1x1024xf32>
    %mul3A_21 = arith.constant 2.000000e-06 : f32
    %mul3A_22 = vector.broadcast %mul3A_21 : f32 to vector<1x1024xf32>
    %mul3A_23 = arith.mulf %mul3A_22, %broadcast_in_dim3A_20 : vector<1x1024xf32>
    %sub3A = arith.subf %broadcast_in_dim3A_17, %mul3A_23 : vector<1x1024xf32>
    %slice3A = vector.extract_strided_slice %sub3A {offsets = [0, 0], sizes = [1, 128], strides = [1, 1]} : vector<1x1024xf32> to vector<1x128xf32>
    %add3A_24 = vector.broadcast %add3A_11 : vector<1000x1xf32> to vector<1000x128xf32>
    %add3A_25 = vector.broadcast %slice3A : vector<1x128xf32> to vector<1000x128xf32>
    %add3A_26 = arith.addf %add3A_24, %add3A_25 : vector<1000x128xf32>
    %slice3A_27 = vector.extract_strided_slice %dot_general3A_13 {offsets = [0, 0], sizes = [1000, 128], strides = [1, 1]} : vector<1000x1024xf32> to vector<1000x128xf32>
    %mul3A_28 = arith.constant 2.000000e+00 : f32
    %mul3A_29 = vector.broadcast %mul3A_28 : f32 to vector<1000x128xf32>
    %mul3A_30 = arith.mulf %mul3A_29, %slice3A_27 : vector<1000x128xf32>
    %sub3A_31 = arith.subf %add3A_26, %mul3A_30 : vector<1000x128xf32>
    %swap3A = arith.constant 0 : index
    %swap3A_32 = arith.constant 0 : index
    %swap3A_33 = arith.constant 0 : index
    %swap3A_34 = vector.load %arg1[%swap3A, %swap3A_32, %swap3A_33] : memref<8x1000x128xf32, #tpu.memory_space<vmem>>, vector<1x1000x128xf32>
    %swap3A_35 = vector.shape_cast %swap3A_34 : vector<1x1000x128xf32> to vector<1000x128xf32>
    %swap3A_36 = vector.shape_cast %sub3A_31 : vector<1000x128xf32> to vector<1x1000x128xf32>
    tpu.vector_store %arg1[%swap3A, %swap3A_32, %swap3A_33], %swap3A_36 {strides = array<i32>} : memref<8x1000x128xf32, #tpu.memory_space<vmem>>, vector<1x1000x128xf32>,
    %slice3A_37 = vector.extract_strided_slice %sub3A {offsets = [0, 128], sizes = [1, 128], strides = [1, 1]} : vector<1x1024xf32> to vector<1x128xf32>
    %add3A_38 = vector.broadcast %add3A_11 : vector<1000x1xf32> to vector<1000x128xf32>
    %add3A_39 = vector.broadcast %slice3A_37 : vector<1x128xf32> to vector<1000x128xf32>
    %add3A_40 = arith.addf %add3A_38, %add3A_39 : vector<1000x128xf32>
    %slice3A_41 = vector.extract_strided_slice %dot_general3A_13 {offsets = [0, 128], sizes = [1000, 128], strides = [1, 1]} : vector<1000x1024xf32> to vector<1000x128xf32>
    %mul3A_42 = arith.constant 2.000000e+00 : f32
    %mul3A_43 = vector.broadcast %mul3A_42 : f32 to vector<1000x128xf32>
    %mul3A_44 = arith.mulf %mul3A_43, %slice3A_41 : vector<1000x128xf32>
    %sub3A_45 = arith.subf %add3A_40, %mul3A_44 : vector<1000x128xf32>
    %swap3A_46 = arith.constant 1 : index
    %swap3A_47 = arith.constant 0 : index
    %swap3A_48 = arith.constant 0 : index
    %swap3A_49 = vector.load %arg1[%swap3A_46, %swap3A_47, %swap3A_48] : memref<8x1000x128xf32, #tpu.memory_space<vmem>>, vector<1x1000x128xf32>
    %swap3A_50 = vector.shape_cast %swap3A_49 : vector<1x1000x128xf32> to vector<1000x128xf32>
    %swap3A_51 = vector.shape_cast %sub3A_45 : vector<1000x128xf32> to vector<1x1000x128xf32>
    tpu.vector_store %arg1[%swap3A_46, %swap3A_47, %swap3A_48], %swap3A_51 {strides = array<i32>} : memref<8x1000x128xf32, #tpu.memory_space<vmem>>, vector<1x1000x128xf32>,
    %slice3A_52 = vector.extract_strided_slice %sub3A {offsets = [0, 256], sizes = [1, 128], strides = [1, 1]} : vector<1x1024xf32> to vector<1x128xf32>
    %add3A_53 = vector.broadcast %add3A_11 : vector<1000x1xf32> to vector<1000x128xf32>
    %add3A_54 = vector.broadcast %slice3A_52 : vector<1x128xf32> to vector<1000x128xf32>
    %add3A_55 = arith.addf %add3A_53, %add3A_54 : vector<1000x128xf32>
    %slice3A_56 = vector.extract_strided_slice %dot_general3A_13 {offsets = [0, 256], sizes = [1000, 128], strides = [1, 1]} : vector<1000x1024xf32> to vector<1000x128xf32>
    %mul3A_57 = arith.constant 2.000000e+00 : f32
    %mul3A_58 = vector.broadcast %mul3A_57 : f32 to vector<1000x128xf32>
    %mul3A_59 = arith.mulf %mul3A_58, %slice3A_56 : vector<1000x128xf32>
    %sub3A_60 = arith.subf %add3A_55, %mul3A_59 : vector<1000x128xf32>
    %swap3A_61 = arith.constant 2 : index
    %swap3A_62 = arith.constant 0 : index
    %swap3A_63 = arith.constant 0 : index
    %swap3A_64 = vector.load %arg1[%swap3A_61, %swap3A_62, %swap3A_63] : memref<8x1000x128xf32, #tpu.memory_space<vmem>>, vector<1x1000x128xf32>
    %swap3A_65 = vector.shape_cast %swap3A_64 : vector<1x1000x128xf32> to vector<1000x128xf32>
    %swap3A_66 = vector.shape_cast %sub3A_60 : vector<1000x128xf32> to vector<1x1000x128xf32>
    tpu.vector_store %arg1[%swap3A_61, %swap3A_62, %swap3A_63], %swap3A_66 {strides = array<i32>} : memref<8x1000x128xf32, #tpu.memory_space<vmem>>, vector<1x1000x128xf32>,
    %slice3A_67 = vector.extract_strided_slice %sub3A {offsets = [0, 384], sizes = [1, 128], strides = [1, 1]} : vector<1x1024xf32> to vector<1x128xf32>
    %add3A_68 = vector.broadcast %add3A_11 : vector<1000x1xf32> to vector<1000x128xf32>
    %add3A_69 = vector.broadcast %slice3A_67 : vector<1x128xf32> to vector<1000x128xf32>
    %add3A_70 = arith.addf %add3A_68, %add3A_69 : vector<1000x128xf32>
    %slice3A_71 = vector.extract_strided_slice %dot_general3A_13 {offsets = [0, 384], sizes = [1000, 128], strides = [1, 1]} : vector<1000x1024xf32> to vector<1000x128xf32>
    %mul3A_72 = arith.constant 2.000000e+00 : f32
    %mul3A_73 = vector.broadcast %mul3A_72 : f32 to vector<1000x128xf32>
    %mul3A_74 = arith.mulf %mul3A_73, %slice3A_71 : vector<1000x128xf32>
    %sub3A_75 = arith.subf %add3A_70, %mul3A_74 : vector<1000x128xf32>
    %swap3A_76 = arith.constant 3 : index
    %swap3A_77 = arith.constant 0 : index
    %swap3A_78 = arith.constant 0 : index
    %swap3A_79 = vector.load %arg1[%swap3A_76, %swap3A_77, %swap3A_78] : memref<8x1000x128xf32, #tpu.memory_space<vmem>>, vector<1x1000x128xf32>
    %swap3A_80 = vector.shape_cast %swap3A_79 : vector<1x1000x128xf32> to vector<1000x128xf32>
    %swap3A_81 = vector.shape_cast %sub3A_75 : vector<1000x128xf32> to vector<1x1000x128xf32>
    tpu.vector_store %arg1[%swap3A_76, %swap3A_77, %swap3A_78], %swap3A_81 {strides = array<i32>} : memref<8x1000x128xf32, #tpu.memory_space<vmem>>, vector<1x1000x128xf32>,
    %slice3A_82 = vector.extract_strided_slice %sub3A {offsets = [0, 512], sizes = [1, 128], strides = [1, 1]} : vector<1x1024xf32> to vector<1x128xf32>
    %add3A_83 = vector.broadcast %add3A_11 : vector<1000x1xf32> to vector<1000x128xf32>
    %add3A_84 = vector.broadcast %slice3A_82 : vector<1x128xf32> to vector<1000x128xf32>
    %add3A_85 = arith.addf %add3A_83, %add3A_84 : vector<1000x128xf32>
    %slice3A_86 = vector.extract_strided_slice %dot_general3A_13 {offsets = [0, 512], sizes = [1000, 128], strides = [1, 1]} : vector<1000x1024xf32> to vector<1000x128xf32>
    %mul3A_87 = arith.constant 2.000000e+00 : f32
    %mul3A_88 = vector.broadcast %mul3A_87 : f32 to vector<1000x128xf32>
    %mul3A_89 = arith.mulf %mul3A_88, %slice3A_86 : vector<1000x128xf32>
    %sub3A_90 = arith.subf %add3A_85, %mul3A_89 : vector<1000x128xf32>
    %swap3A_91 = arith.constant 4 : index
    %swap3A_92 = arith.constant 0 : index
    %swap3A_93 = arith.constant 0 : index
    %swap3A_94 = vector.load %arg1[%swap3A_91, %swap3A_92, %swap3A_93] : memref<8x1000x128xf32, #tpu.memory_space<vmem>>, vector<1x1000x128xf32>
    %swap3A_95 = vector.shape_cast %swap3A_94 : vector<1x1000x128xf32> to vector<1000x128xf32>
    %swap3A_96 = vector.shape_cast %sub3A_90 : vector<1000x128xf32> to vector<1x1000x128xf32>
    tpu.vector_store %arg1[%swap3A_91, %swap3A_92, %swap3A_93], %swap3A_96 {strides = array<i32>} : memref<8x1000x128xf32, #tpu.memory_space<vmem>>, vector<1x1000x128xf32>,
    %slice3A_97 = vector.extract_strided_slice %sub3A {offsets = [0, 640], sizes = [1, 128], strides = [1, 1]} : vector<1x1024xf32> to vector<1x128xf32>
    %add3A_98 = vector.broadcast %add3A_11 : vector<1000x1xf32> to vector<1000x128xf32>
    %add3A_99 = vector.broadcast %slice3A_97 : vector<1x128xf32> to vector<1000x128xf32>
    %add3A_100 = arith.addf %add3A_98, %add3A_99 : vector<1000x128xf32>
    %slice3A_101 = vector.extract_strided_slice %dot_general3A_13 {offsets = [0, 640], sizes = [1000, 128], strides = [1, 1]} : vector<1000x1024xf32> to vector<1000x128xf32>
    %mul3A_102 = arith.constant 2.000000e+00 : f32
    %mul3A_103 = vector.broadcast %mul3A_102 : f32 to vector<1000x128xf32>
    %mul3A_104 = arith.mulf %mul3A_103, %slice3A_101 : vector<1000x128xf32>
    %sub3A_105 = arith.subf %add3A_100, %mul3A_104 : vector<1000x128xf32>
    %swap3A_106 = arith.constant 5 : index
    %swap3A_107 = arith.constant 0 : index
    %swap3A_108 = arith.constant 0 : index
    %swap3A_109 = vector.load %arg1[%swap3A_106, %swap3A_107, %swap3A_108] : memref<8x1000x128xf32, #tpu.memory_space<vmem>>, vector<1x1000x128xf32>
    %swap3A_110 = vector.shape_cast %swap3A_109 : vector<1x1000x128xf32> to vector<1000x128xf32>
    %swap3A_111 = vector.shape_cast %sub3A_105 : vector<1000x128xf32> to vector<1x1000x128xf32>
    tpu.vector_store %arg1[%swap3A_106, %swap3A_107, %swap3A_108], %swap3A_111 {strides = array<i32>} : memref<8x1000x128xf32, #tpu.memory_space<vmem>>, vector<1x1000x128xf32>,
    %slice3A_112 = vector.extract_strided_slice %sub3A {offsets = [0, 768], sizes = [1, 128], strides = [1, 1]} : vector<1x1024xf32> to vector<1x128xf32>
    %add3A_113 = vector.broadcast %add3A_11 : vector<1000x1xf32> to vector<1000x128xf32>
    %add3A_114 = vector.broadcast %slice3A_112 : vector<1x128xf32> to vector<1000x128xf32>
    %add3A_115 = arith.addf %add3A_113, %add3A_114 : vector<1000x128xf32>
    %slice3A_116 = vector.extract_strided_slice %dot_general3A_13 {offsets = [0, 768], sizes = [1000, 128], strides = [1, 1]} : vector<1000x1024xf32> to vector<1000x128xf32>
    %mul3A_117 = arith.constant 2.000000e+00 : f32
    %mul3A_118 = vector.broadcast %mul3A_117 : f32 to vector<1000x128xf32>
    %mul3A_119 = arith.mulf %mul3A_118, %slice3A_116 : vector<1000x128xf32>
    %sub3A_120 = arith.subf %add3A_115, %mul3A_119 : vector<1000x128xf32>
    %swap3A_121 = arith.constant 6 : index
    %swap3A_122 = arith.constant 0 : index
    %swap3A_123 = arith.constant 0 : index
    %swap3A_124 = vector.load %arg1[%swap3A_121, %swap3A_122, %swap3A_123] : memref<8x1000x128xf32, #tpu.memory_space<vmem>>, vector<1x1000x128xf32>
    %swap3A_125 = vector.shape_cast %swap3A_124 : vector<1x1000x128xf32> to vector<1000x128xf32>
    %swap3A_126 = vector.shape_cast %sub3A_120 : vector<1000x128xf32> to vector<1x1000x128xf32>
    tpu.vector_store %arg1[%swap3A_121, %swap3A_122, %swap3A_123], %swap3A_126 {strides = array<i32>} : memref<8x1000x128xf32, #tpu.memory_space<vmem>>, vector<1x1000x128xf32>,
    %slice3A_127 = vector.extract_strided_slice %sub3A {offsets = [0, 896], sizes = [1, 128], strides = [1, 1]} : vector<1x1024xf32> to vector<1x128xf32>
    %add3A_128 = vector.broadcast %add3A_11 : vector<1000x1xf32> to vector<1000x128xf32>
    %add3A_129 = vector.broadcast %slice3A_127 : vector<1x128xf32> to vector<1000x128xf32>
    %add3A_130 = arith.addf %add3A_128, %add3A_129 : vector<1000x128xf32>
    %slice3A_131 = vector.extract_strided_slice %dot_general3A_13 {offsets = [0, 896], sizes = [1000, 128], strides = [1, 1]} : vector<1000x1024xf32> to vector<1000x128xf32>
    %mul3A_132 = arith.constant 2.000000e+00 : f32
    %mul3A_133 = vector.broadcast %mul3A_132 : f32 to vector<1000x128xf32>
    %mul3A_134 = arith.mulf %mul3A_133, %slice3A_131 : vector<1000x128xf32>
    %sub3A_135 = arith.subf %add3A_130, %mul3A_134 : vector<1000x128xf32>
    %swap3A_136 = arith.constant 7 : index
    %swap3A_137 = arith.constant 0 : index
    %swap3A_138 = arith.constant 0 : index
    %swap3A_139 = vector.load %arg1[%swap3A_136, %swap3A_137, %swap3A_138] : memref<8x1000x128xf32, #tpu.memory_space<vmem>>, vector<1x1000x128xf32>
    %swap3A_140 = vector.shape_cast %swap3A_139 : vector<1x1000x128xf32> to vector<1000x128xf32>
    %swap3A_141 = vector.shape_cast %sub3A_135 : vector<1000x128xf32> to vector<1x1000x128xf32>
    tpu.vector_store %arg1[%swap3A_136, %swap3A_137, %swap3A_138], %swap3A_141 {strides = array<i32>} : memref<8x1000x128xf32, #tpu.memory_space<vmem>>, vector<1x1000x128xf32>,
    return
  }
}

</mosaic_0001>

<sc_bundles>
// kernel: kernel.4.cloned.1.call-start
scs
__scs_entry_jumppad:
0x0: {  	(pc) =	sbr.rel $0x88, $3  }
0x1: {  	(tag) =	ssettag $0x0;
	lr =	simm.s32 $0x1  }
0x2: {  	[smem:$0x3F9D] =	sst lr;
	_ =	strace $0xD0000000  }
0x3: {  	_ = 	snop  }
0x4: {  	_ = 	snop  }
0x5: {  	_ = 	snop  }
0x6: {  	_ = 	snop  }
0x7: {  	_ = 	snop  }
__scs_overlays_trampoline_lowered:
0x8: {  	[smem:$0x3FAC] =	sst s0  }
0x9: {  	[smem:$0x3FAD] =	sst s1  }
0xa: {  	[smem:$0x3FAE] =	sst s2  }
0xb: {  	[smem:$0x3FAF] =	sst s3  }
0xc: {  	[smem:$0x3FB0] =	sst s4  }
0xd: {  	[smem:$0x3FB1] =	sst s5  }
0xe: {  	[smem:$0x3FB2] =	sst s6  }
0xf: {  	[smem:$0x3FB3] =	sst s7  }
0x10: {  	[smem:$0x3FB4] =	sst s8  }
0x11: {  	[smem:$0x3FB5] =	sst s9;
	s0 =	simm.s32 @!p0 $0x0  }
0x12: {  	s1 =	sld [smem:$0x3F9B];
	s0 =	simm.s32 @p0 $0x1  }
0x13: {  	[smem:$0x3FB6] =	sst s0;
	s0 =	simm.s32 @!p1 $0x0  }
0x14: {  	s2 =	sld [smem:$0x3F9A];
	s0 =	simm.s32 @p1 $0x1  }
0x15: {  	[smem:$0x3FB7] =	sst s0;
	s0 =	simm.s32 @!p2 $0x0  }
0x16: {  	s3 =	sld [smem:$0x3FDB];
	s0 =	simm.s32 @p2 $0x1  }
0x17: {  	s4 =	simm.s32 $0x1BF5;
	[smem:$0x3FB9] =	sst s0  }
0x18: {  	s0 =	sld [smem:$0x3F9C];
	_ =	swait.ge [sflag:s4], $0x0  }
0x19: {  	s7 =	sld [smem:$0x3F9D]  }
0x1a: {  	s8 =	sadd.s32 $0xFFFFE003, lr  }
0x1b: {  	s9 =	sadd.s32 $0xFFFFFEF7, lr;
	s5 =	simm.s32 $0xFFFFFFFF;
	p2 =	slt.u32 s8, $0xFFFFF086  }
0x1c: {  	p1 =	slt.u32 s9, $0xF7A;
	s5 =	simm.s32 @!p2 $0x0  }
0x1d: {  	s5 =	simm.s32 @p1 $0x1;
	p0 =	seq.s32 s7, s2  }
0x1e: {  	s7 =	smul.u32 @!p0 $0xF7A, s2;
	p2 =	seq.s32 @!p0 s5, $0x0  }
0x1f: {  	s9 =	smul.u32 $0xF7A, s1;
	s8 =	simm.s32 @!p0 $0x1BF5;
	p2 =	por !p2, p0  }
0x20: {  	[sflag:s8] =	ssyncset.s32 @!p0 $0xFFFFF086;
	s6 =	sadd.s32 @!p0 s3, s7;
	s7 =	simm.s32 @!p0 $0x108  }
0x21: {  	s3 =	sadd.s32 s3, s9;
	s6 =	sadd.s32 @!p0 $0x88, s6;
	s7 =	simm.s32 @p2 $0x1082  }
0x22: {  	[simem:s7], [sflag:s8] =	dma.local @!p0 [hbm:s6], $0xF7A  }
0x23: {  	s9 =	sor.u32 $0xD0000000, s2;
	s6 =	simm.s32 $0x108;
	_ =	swait.ge @!p0 [sflag:s8], $0x0  }
0x24: {  	s3 =	sadd.s32 $0x88, s3;
	s6 =	simm.s32 @!p1 $0x1082;
	[sflag:s4] =	ssyncset.s32 $0xFFFFF086  }
0x25: {  	[simem:s6], [sflag:s4] =	dma.local [hbm:s3], $0xF7A  }
0x26: {  	[smem:$0x3F9D] =	sst s1;
	(tag) =	ssettag s2;
	_ =	strace s9  }
0x27: {  	s1 =	sld [smem:$0x3FAD]  }
0x28: {  	s2 =	sld [smem:$0x3FAE]  }
0x29: {  	s4 =	sld [smem:$0x3FB0]  }
0x2a: {  	p0 =	seq.s32 s5, $0x0;
	s5 =	sld [smem:$0x3FB1]  }
0x2b: {  	s6 =	sld [smem:$0x3FB2]  }
0x2c: {  	s7 =	sld [smem:$0x3FB3]  }
0x2d: {  	s3 =	simm.s32 $0x108;
	s8 =	sld [smem:$0x3FB4]  }
0x2e: {  	s3 =	simm.s32 @!p0 $0x1082;
	s9 =	sld [smem:$0x3FB5]  }
0x2f: {  	lr =	sadd.s32 s0, s3;
	s0 =	sld [smem:$0x3FAC]  }
0x30: {  	s3 =	sld [smem:$0x3FAF]  }
0x31: {  	[smem:$0x3FB8] =	sst s10  }
0x32: {  	s10 =	sld [smem:$0x3FB6];
	_ =	sdelay $0x3  }
0x33: {  	p0 =	seq.s32 s10, $0x1;
	s10 =	sld [smem:$0x3FB8];
	_ =	sdelay $0x3  }
0x34: {  	[smem:$0x3FB8] =	sst s10  }
0x35: {  	s10 =	sld [smem:$0x3FB7];
	_ =	sdelay $0x3  }
0x36: {  	p1 =	seq.s32 s10, $0x1;
	s10 =	sld [smem:$0x3FB8];
	_ =	sdelay $0x3  }
0x37: {  	[smem:$0x3FB8] =	sst s10  }
0x38: {  	s10 =	sld [smem:$0x3FB9]  }
0x39: {  	_ = 	snop;
	(pc) =	sbr.ind lr, $3  }
0x3a: {  	_ = 	snop  }
0x3b: {  	_ = 	snop  }
0x3c: {  	p2 =	seq.s32 s10, $0x1;
	s10 =	sld [smem:$0x3FB8]  }
0x3d: {  	_ =	shalt  }
0x3e: {  	_ =	shalt  }
0x3f: {  	_ =	shalt  }
0x40: {  	_ =	shalt  }
0x41: {  	_ =	shalt  }
0x42: {  	_ =	shalt  }
0x43: {  	_ =	shalt  }
0x44: {  	_ =	shalt  }
0x45: {  	_ =	shalt  }
0x46: {  	_ =	shalt  }
0x47: {  	_ =	shalt  }
0x48: {  	_ =	shalt  }
0x49: {  	_ =	shalt  }
0x4a: {  	_ =	shalt  }
0x4b: {  	_ =	shalt  }
0x4c: {  	_ =	shalt  }
0x4d: {  	_ =	shalt  }
0x4e: {  	_ =	shalt  }
0x4f: {  	_ =	shalt  }
0x50: {  	_ =	shalt  }
0x51: {  	_ =	shalt  }
0x52: {  	_ =	shalt  }
0x53: {  	_ =	shalt  }
0x54: {  	_ =	shalt  }
0x55: {  	_ =	shalt  }
0x56: {  	_ =	shalt  }
0x57: {  	_ =	shalt  }
0x58: {  	_ =	shalt  }
0x59: {  	_ =	shalt  }
0x5a: {  	_ =	shalt  }
0x5b: {  	_ =	shalt  }
0x5c: {  	_ =	shalt  }
0x5d: {  	_ =	shalt  }
0x5e: {  	_ =	shalt  }
0x5f: {  	_ =	shalt  }
0x60: {  	_ =	shalt  }
0x61: {  	_ =	shalt  }
0x62: {  	_ =	shalt  }
0x63: {  	_ =	shalt  }
0x64: {  	_ =	shalt  }
0x65: {  	_ =	shalt  }
0x66: {  	_ =	shalt  }
0x67: {  	_ =	shalt  }
0x68: {  	_ =	shalt  }
0x69: {  	_ =	shalt  }
0x6a: {  	_ =	shalt  }
0x6b: {  	_ =	shalt  }
0x6c: {  	_ =	shalt  }
0x6d: {  	_ =	shalt  }
0x6e: {  	_ =	shalt  }
0x6f: {  	_ =	shalt  }
0x70: {  	_ =	shalt  }
0x71: {  	_ =	shalt  }
0x72: {  	_ =	shalt  }
0x73: {  	_ =	shalt  }
0x74: {  	_ =	shalt  }
0x75: {  	_ =	shalt  }
0x76: {  	_ =	shalt  }
0x77: {  	_ =	shalt  }
0x78: {  	_ =	shalt  }
0x79: {  	_ =	shalt  }
0x7a: {  	_ =	shalt  }
0x7b: {  	_ =	shalt  }
0x7c: {  	_ =	shalt  }
0x7d: {  	_ =	shalt  }
0x7e: {  	_ =	shalt  }
0x7f: {  	_ =	shalt  }
0x80: {  	_ =	shalt  }
0x81: {  	_ =	shalt  }
0x82: {  	_ =	shalt  }
0x83: {  	_ =	shalt  }
0x84: {  	_ =	shalt  }
0x85: {  	_ =	shalt  }
0x86: {  	_ =	shalt  }
0x87: {  	_ =	shalt  }
.Lfunc_end0:
.L_simem_size_0:
called_computation_lowered:
.L_overlay_start_0:
0x88: {  	s2 =	sld [smem:$0x3FD9]  }
0x89: {  	s3 =	sld [smem:$0x3FFE];
	_ =	sdelay $0x1  }
0x8a: {  	s1 =	srdreg.scid  }
0x8b: {  	s0 =	sand.u32 $0x1, s1  }
0x8c: {  	s17 =	sshll.u32 s0, $0xA;
	s2 =	sadd.s32 s3, s2  }
0x8d: {  	s2 =	sadd.s32 s2, s17  }
0x8e: {  	[smem:$0x3FC4] =	sst s2  }
0x8f: {  	_ = 	snop  }
0x90: {  	s2 =	sld [smem:$0x3FC9]  }
0x91: {  	s18 =	sld [smem:$0x3FC8]  }
0x92: {  	s4 =	sld [smem:$0x3FC7];
	(tm) =	ssettm $0x1  }
0x93: {  	s5 =	sld [smem:$0x3FFB];
	_ =	sdelay $0x3  }
0x94: {  	_ =	strace s5  }
0x95: {  	s5 =	sld [smem:$0x3FFC];
	_ =	sdelay $0x3  }
0x96: {  	_ =	strace s5  }
0x97: {  	s5 =	sld [smem:$0x3FFD];
	_ =	sdelay $0x3  }
0x98: {  	_ =	strace s5  }
0x99: {  	_ =	strace $0x8FFFFFFF  }
0x9a: {  	s19 =	sld [smem:$0x3FDB];
	_ =	sdelay $0x1  }
0x9b: {  	s6 =	simm.s32 $_scs_section_size  }
0x9c: {  	s7 =	simm.s32 $_size__tile_overlayer_lowered;
	s8 =	simm.s32 $_tile_overlayer_lowered  }
0x9d: {  	s22 =	simm.s32 $0x1BFF;
	s21 =	sshll.u32 s8, $0x1;
	s5 =	sadd.s32 s6, s19  }
0x9e: {  	s9 =	simm.s32 $0x0;
	s20 =	sshll.u32 s7, $0x1;
	s7 =	sadd.s32 s21, s5  }
0x9f: {  	[timem:s9], [sflag:s22] =	dma.local [hbm:s7], s20  }
0xa0: {  	_ =	swait.ge [sflag:s22], s20  }
0xa1: {  	s6 =	ssub.s32 $0x0, s20;
	[sflag:s22] =	ssyncset.done $0x0  }
0xa2: {  	[sflag:s22] =	ssyncadd.s32 s6;
	_ =	sdelay $0x1  }
0xa3: {  	s23 =	simm.s32 $0x1B8B  }
0xa4: {  	_ =	swait.ge [sflag:s23], $0x1  }
0xa5: {  	[sflag:s23] =	ssyncset.done $0x0  }
0xa6: {  	s25 =	simm.s32 $0x1B8E;
	s24 =	sld [smem:$0x3FFE];
	[sflag:s23] =	ssyncadd.s32 $0xFFFFFFFF  }
0xa7: {  	s26 =	simm.s32 $execute0_lowered;
	[smem:$0x3FD2] =	sst s25  }
0xa8: {  	s7 =	sshll.u32 s26, $0x1;
	_ =	strace $0x80000046;
	[dreg:$0x1] =	wrdreg $0xFFFFFFFF  }
0xa9: {  	s28 =	simm.s32 $_size_execute0_lowered;
	s5 =	sadd.s32 s5, s7;
	[dreg:$0x0] =	wrdreg $0x0  }
0xaa: {  	s7 =	sshll.u32 s28, $0x1;
	[dreg:$0x2] =	wrdreg s5  }
0xab: {  	[dreg:$0x3] =	wrdreg s7  }
0xac: {  	[dreg:$0x4] =	wrdreg $0xC0  }
0xad: {  	_ =	task [dreg:s9], $0x5FFFF  }
0xae: {  	[dreg:$0x1] =	wrdreg $0xFFFFFFFF  }
0xaf: {  	[dreg:$0x0] =	wrdreg $0x60  }
0xb0: {  	[dreg:$0x2] =	wrdreg s24  }
0xb1: {  	[dreg:$0x3] =	wrdreg s2  }
0xb2: {  	[dreg:$0x4] =	wrdreg s18  }
0xb3: {  	[dreg:$0x5] =	wrdreg s4  }
0xb4: {  	[dreg:$0x6] =	wrdreg $0x9  }
0xb5: {  	_ =	task.clear_ibuf [dreg:s9], $0x7FFFF;
	_ =	strace $0x90000046  }
0xb6: {  	s29 =	simm.s32 $0x9;
	_ =	strace $0x80000048  }
0xb7: {  	_ =	swait.ge [sflag:s29], $0x1  }
0xb8: {  	[sflag:s29] =	ssyncadd.s32 $0xFFFFFFFF  }
0xb9: {  	_ =	strace $0x90000048  }
0xba: {  	_ =	sfence  }
0xbb: {  	s30 =	sld [smem:$0x0];
	_ =	sdelay $0x2  }
0xbc: {  	s31 =	sshll.u32 s1, $0xD;
	s1 =	sshrl.u32 s1, $0x2  }
0xbd: {  	s3 =	sand.u32 $0x4000, s31;
	s1 =	sadd.s32 s1, s30  }
0xbe: {  	s0 =	sor.u32 s3, s0;
	s1 =	sshll.u32 s1, $0x11  }
0xbf: {  	s0 =	sor.u32 s1, s0  }
0xc0: {  	s0 =	sadd.s32 $0x8F2B, s0  }
0xc1: {  	[sflag:s0] =	ssyncadd.remote.s32 $0x1  }
0xc2: {  	_ =	sfence.sel $0xFFFF  }
0xc3: {  	[dreg:$0x0] =	wrdreg $0xFFFFFFFF;
	(pc) =	sbr.abs _section_cstart, $3  }
0xc4: {  	[dreg:$0x1] =	wrdreg $0xFFFFFFFF  }
0xc5: {  	_ =	task.clear_ibuf [dreg:s9], $0x2FFFF;
	_ =	strace $0x9FFFFFFF  }
0xc6: {  	(tm) =	ssettm $0x7FFFFFFF  }
0xc7: {  	_ =	shalt  }
tec
execute0_lowered:
.L_overlay_start_1:
0x0: {  	(tag) =	ssettag $0x1  }
0x1: {  	s0 =	rddreg [dreg:$0x0]  }
0x2: {  	s1 =	rddreg [dreg:$0x1]  }
0x3: {  	s5 =	rddreg [dreg:$0x2]  }
0x4: {  	s6 =	rddreg [dreg:$0x3];
	s2 =	simm.s32 $0x0  }
0x5: {  	s3 =	srdreg.scid;
	s7 =	stileid.u32;
	s11 =	simm.s32 $0x1  }
0x6: {  	s12 =	simm.s32 $0x80;
	s17 =	simm.s32 $0x680;
	s18 =	simm.s32 $0xA80  }
0x7: {  	s19 =	simm.s32 $0x880;
	s20 =	simm.s32 $0xC80;
	s21 =	simm.s32 $0x700  }
0x8: {  	s22 =	simm.s32 $0xB00;
	s23 =	simm.s32 $0x900;
	s24 =	simm.s32 $0xD00  }
0x9: {  	s25 =	simm.s32 $0x780;
	s28 =	simm.s32 $0x980;
	s29 =	simm.s32 $0xD80  }
0xa: {  	s30 =	simm.s32 $0xE00;
	s31 =	simm.s32 $0x2;
	[smem:$0x7FF] =	sst s2  }
0xb: {  	s4 =	sand.u32 $0x1, s3;
	s7 =	sshll.u32 s7, $0x1;
	s3 =	sadd.s32 $0x400, s0  }
0xc: {  	_ =	strace $0x80000047;
	s7 =	sor.u32 s4, s7;
	s4 =	ssub.s32 $0x2, s4  }
0xd: {  	s8 =	sshll.u32 s7, $0x1;
	s9 =	sshrl.u32 s4, $0x1;
	s7 =	sshll.u32 s7, $0x6  }
0xe: {  	s0 =	sadd.s32 s8, s0;
	s26 =	ssub.s32 s4, s9;
	s4 =	sadd.s32 s1, s7  }
0xf: {  	s5 =	sadd.s32 s5, s7;
	s6 =	sadd.s32 s6, s7;
	s7 =	sadd.s32 $0x1F800, s0  }
0x10: {  	s8 =	smax.u32 s26, $0x1;
	s26 =	simm.s32 $0xB80;
	s0 =	simm.s32 $0x0  }
.LBB2_1:
0x11: {  	[tilespmem:s2], [sflag:$0x1] =	stream.linear.gather [hbm4b:s4+s2], $0x200, $0x38;
	[tilespmem:$0xE10] =	vst v63  }
0x12: {  	s1 =	simm.s32 $0x200  }
0x13: {  	[tilespmem:s1], [sflag:$0x1] =	stream.linear.gather [hbm4b:s5+s2], $0x200, $0x38;
	[tilespmem:$0xE10] =	vst v63  }
0x14: {  	s9 =	simm.s32 $0x400  }
0x15: {  	[tilespmem:s9], [sflag:$0x1] =	stream.linear.gather [hbm4b:s6+s2], $0x200, $0x38;
	[tilespmem:$0xE10] =	vst v63  }
0x16: {  	_ =	swait.ge [sflag:s11], $0x200  }
0x17: {  	[sflag:s11] =	ssyncset.done $0x0  }
0x18: {  	[sflag:s11] =	ssyncadd.s32 $0xFFFFFE00  }
0x19: {  	_ =	swait.ge [sflag:s11], $0x200  }
0x1a: {  	[sflag:s11] =	ssyncset.done $0x0  }
0x1b: {  	[sflag:s11] =	ssyncadd.s32 $0xFFFFFE00  }
0x1c: {  	_ =	swait.ge [sflag:s11], $0x200  }
0x1d: {  	[sflag:s11] =	ssyncset.done $0x0  }
0x1e: {  	s10 =	simm.s32 $0x210;
	[sflag:s11] =	ssyncadd.s32 $0xFFFFFE00  }
0x1f: {  	v0 =	vld [tilespmem:s10+$0x0]  }
0x20: {  	s9 =	simm.s32 $0x10;
	v1 =	vld [tilespmem:s10+$0xFFFFFFF0]  }
0x21: {  	v2 =	vld [tilespmem:s9+$0x0]  }
0x22: {  	v3 =	vld [tilespmem:s9+$0xFFFFFFF0];
	_ =	sdelay $0x1  }
0x23: {  	v4 =	vshrl.u32 v0, $0x7  }
0x24: {  	s13 =	simm.s32 $0x230;
	v5 =	vshrl.u32 v1, $0x7;
	v4 =	vmul.u32 $0x1F400, v4  }
0x25: {  	v6 =	vshll.u32 v2, $0x7;
	v2 =	vmul.u32 $0x1F400, v5;
	v5 =	vld [tilespmem:s13+$0x0]  }
0x26: {  	s15 =	simm.s32 $0x30;
	v7 =	vld [tilespmem:s13+$0xFFFFFFF0];
	v0 =	vand.u32 $0x7F, v0;
	v12 =	vshll.u32 v3, $0x7;
	v4 =	vadd.s32 v6, v4  }
0x27: {  	s14 =	simm.s32 $0x610;
	v1 =	vand.u32 $0x7F, v1;
	v3 =	vld [tilespmem:s15+$0x0];
	v2 =	vadd.s32 v12, v2;
	v0 =	vor.u32 v0, v4  }
0x28: {  	s10 =	simm.s32 $0x410;
	[tilespmem:s14+$0x0] =	vst v0;
	v0 =	vor.u32 v1, v2;
	v2 =	vld [tilespmem:s15+$0xFFFFFFF0]  }
0x29: {  	v4 =	vld [tilespmem:s10+$0x0]  }
0x2a: {  	[tilespmem:s14+$0xFFFFFFF0] =	vst v0;
	v0 =	vshrl.u32 v5, $0x7  }
0x2b: {  	v1 =	vshrl.u32 v7, $0x7;
	v0 =	vmul.u32 $0x1F400, v0  }
0x2c: {  	s16 =	simm.s32 $0x250;
	v9 =	vmul.u32 $0x1F400, v1;
	v1 =	vshll.u32 v3, $0x7;
	v8 =	vld [tilespmem:s10+$0xFFFFFFF0]  }
0x2d: {  	v3 =	vld [tilespmem:s16+$0x0];
	v5 =	vand.u32 $0x7F, v5;
	v10 =	vadd.s32 v1, v0  }
0x2e: {  	v13 =	vld [tilespmem:s16+$0xFFFFFFF0];
	s9 =	simm.s32 $0x630;
	s10 =	simm.s32 $0x50;
	v0 =	vshll.u32 v2, $0x7;
	v5 =	vor.u32 v5, v10;
	v11 =	vshrl.u32 v4, $0x7  }
0x2f: {  	v7 =	vand.u32 $0x7F, v7;
	s14 =	simm.s32 $0x430;
	v14 =	vld [tilespmem:s10+$0x0];
	v9 =	vadd.s32 v0, v9;
	[tilespmem:s9+$0x0] =	vst v5;
	v10 =	vmul.u32 $0x1F400, v11  }
0x30: {  	v5 =	vor.u32 v7, v9;
	v7 =	vand.u32 $0x7F, v4;
	v4 =	vld [tilespmem:s14+$0x0]  }
0x31: {  	v11 =	vshrl.u32 v8, $0x7;
	v2 =	vand.u32 $0x7F, v8;
	v9 =	vld [tilespmem:s10+$0xFFFFFFF0];
	[tilespmem:s9+$0xFFFFFFF0] =	vst v5;
	v6 =	vadd.s32 v6, v10  }
0x32: {  	v15 =	vmul.u32 $0x1F400, v11;
	v5 =	vld [tilespmem:s14+$0xFFFFFFF0];
	v6 =	vor.u32 v7, v6;
	v7 =	vshrl.u32 v3, $0x7  }
0x33: {  	s1 =	simm.s32 $0x810;
	v8 =	vand.u32 $0x7F, v13;
	v10 =	vshrl.u32 v13, $0x7;
	v11 =	vmul.u32 $0x1F400, v7  }
0x34: {  	s13 =	simm.s32 $0x810;
	s15 =	simm.s32 $0x4;
	s16 =	simm.s32 $0x270;
	v10 =	vmul.u32 $0x1F400, v10;
	[tilespmem:s1+$0x0] =	vst v6;
	v6 =	vshll.u32 v14, $0x7;
	v7 =	vadd.s32 v12, v15  }
.LBB2_2:
0x35: {  	s15 =	sadd.s32 $0x2, s15;
	v11 =	vadd.s32 v6, v11;
	v12 =	vand.u32 $0x7F, v3;
	v3 =	vld [tilespmem:s16+$0x0];
	v13 =	vshrl.u32 v4, $0x7  }
0x36: {  	s10 =	sadd.s32 $0x20, s10;
	s9 =	sadd.s32 $0x20, s9;
	v14 =	vld [tilespmem:s16+$0xFFFFFFF0];
	p0 =	slt.u32 s15, $0x1E;
	v15 =	vshll.u32 v9, $0x7;
	v9 =	vor.u32 v12, v11;
	v11 =	vmul.u32 $0x1F400, v13  }
0x37: {  	s14 =	sadd.s32 $0x20, s14;
	v12 =	vld [tilespmem:s10+$0x0];
	v10 =	vadd.s32 v15, v10;
	[tilespmem:s9+$0x0] =	vst v9;
	v13 =	vshrl.u32 v5, $0x7;
	v5 =	vand.u32 $0x7F, v5  }
.Ltmp0:
0x38: {  	v8 =	vor.u32 v8, v10;
	v10 =	vadd.s32 v1, v11;
	v11 =	vand.u32 $0x7F, v4;
	v4 =	vld [tilespmem:s14+$0x0];
	v1 =	vmovc v6;
	(pc) =	sbr.rel @p0 .LBB2_2-.Ltmp0, $4  }
0x39: {  	v7 =	vor.u32 v2, v7;
	s1 =	sadd.s32 $0x20, s1;
	v13 =	vmul.u32 $0x1F400, v13;
	v2 =	vmovc v5;
	v9 =	vld [tilespmem:s10+$0xFFFFFFF0];
	[tilespmem:s9+$0xFFFFFFF0] =	vst v8;
	v6 =	vor.u32 v11, v10  }
0x3a: {  	v10 =	vshrl.u32 v3, $0x7;
	v5 =	vld [tilespmem:s14+$0xFFFFFFF0];
	[tilespmem:s1+$0x0] =	vst v6  }
0x3b: {  	v6 =	vshrl.u32 v14, $0x7;
	v8 =	vand.u32 $0x7F, v14;
	v11 =	vmul.u32 $0x1F400, v10;
	[tilespmem:s13+$0xFFFFFFF0] =	vst v7;
	s13 =	smov.u32 s1  }
0x3c: {  	s16 =	sadd.s32 $0x20, s16;
	v7 =	vadd.s32 v0, v13;
	v0 =	vmovc v15;
	v10 =	vmul.u32 $0x1F400, v6;
	v6 =	vshll.u32 v12, $0x7  }
0x3d: {  	v11 =	vadd.s32 v6, v11;
	v3 =	vand.u32 $0x7F, v3  }
0x3e: {  	s9 =	sadd.s32 $0x20, s9;
	v9 =	vshll.u32 v9, $0x7;
	v3 =	vor.u32 v3, v11  }
0x3f: {  	s10 =	sadd.s32 $0x20, s14;
	v10 =	vadd.s32 v9, v10;
	[tilespmem:s9+$0x0] =	vst v3  }
0x40: {  	v3 =	vor.u32 v8, v10;
	v8 =	vld [tilespmem:s10+$0x0]  }
0x41: {  	[tilespmem:s9+$0xFFFFFFF0] =	vst v3  }
0x42: {  	v3 =	vshrl.u32 v4, $0x7;
	v10 =	vld [tilespmem:s10+$0xFFFFFFF0]  }
0x43: {  	v3 =	vmul.u32 $0x1F400, v3;
	_ =	sdelay $0x1  }
0x44: {  	v2 =	vor.u32 v2, v7;
	v1 =	vadd.s32 v1, v3;
	v3 =	vshrl.u32 v8, $0x7  }
0x45: {  	v11 =	vshrl.u32 v5, $0x7;
	v4 =	vand.u32 $0x7F, v4;
	v3 =	vmul.u32 $0x1F400, v3  }
0x46: {  	s1 =	sadd.s32 $0x20, s1;
	v11 =	vmul.u32 $0x1F400, v11;
	v1 =	vor.u32 v4, v1;
	v4 =	vshrl.u32 v10, $0x7  }
0x47: {  	[tilespmem:s1+$0x0] =	vst v1;
	v1 =	vadd.s32 v6, v3;
	v3 =	vand.u32 $0x7F, v8;
	v4 =	vmul.u32 $0x1F400, v4  }
0x48: {  	[tilespmem:s13+$0xFFFFFFF0] =	vst v2;
	v5 =	vand.u32 $0x7F, v5;
	v0 =	vadd.s32 v0, v11;
	s10 =	sadd.s32 $0x20, s1;
	v1 =	vor.u32 v3, v1  }
0x49: {  	v0 =	vor.u32 v5, v0;
	v2 =	vand.u32 $0x7F, v10;
	[tilespmem:s10+$0x0] =	vst v1;
	v1 =	vadd.s32 v9, v4  }
0x4a: {  	[tilespmem:s1+$0xFFFFFFF0] =	vst v0;
	v0 =	vor.u32 v2, v1  }
0x4b: {  	s14 =	simm.s32 $0xA00;
	s13 =	simm.s32 $0x600;
	[tilespmem:s10+$0xFFFFFFF0] =	vst v0  }
0x4c: {  	[tilespmem:s14], [sflag:$0x1] =	stream.indirect.gather [hbm4b:s3+s12], $0x1, s13, s12, $0xb8;
	[tilespmem:$0xE10] =	vst v63  }
0x4d: {  	s15 =	simm.s32 $0x800;
	s16 =	simm.s32 $0xC00  }
0x4e: {  	[tilespmem:s16], [sflag:$0x1] =	stream.indirect.gather [hbm4b:s3+s12], $0x1, s15, s12, $0xb8;
	[tilespmem:$0xE10] =	vst v63  }
0x4f: {  	_ = 	snop  }
0x50: {  	[tilespmem:s18], [sflag:$0x1] =	stream.indirect.gather [hbm4b:s3+s12], $0x1, s17, s12, $0xb8;
	[tilespmem:$0xE10] =	vst v63  }
0x51: {  	_ = 	snop  }
0x52: {  	[tilespmem:s20], [sflag:$0x1] =	stream.indirect.gather [hbm4b:s3+s12], $0x1, s19, s12, $0xb8;
	[tilespmem:$0xE10] =	vst v63  }
0x53: {  	_ = 	snop  }
0x54: {  	[tilespmem:s22], [sflag:$0x1] =	stream.indirect.gather [hbm4b:s3+s12], $0x1, s21, s12, $0xb8;
	[tilespmem:$0xE10] =	vst v63  }
0x55: {  	_ = 	snop  }
0x56: {  	[tilespmem:s24], [sflag:$0x1] =	stream.indirect.gather [hbm4b:s3+s12], $0x1, s23, s12, $0xb8;
	[tilespmem:$0xE10] =	vst v63  }
0x57: {  	_ = 	snop  }
0x58: {  	[tilespmem:s26], [sflag:$0x1] =	stream.indirect.gather [hbm4b:s3+s12], $0x1, s25, s12, $0xb8;
	[tilespmem:$0xE10] =	vst v63  }
0x59: {  	_ = 	snop  }
0x5a: {  	[tilespmem:s29], [sflag:$0x1] =	stream.indirect.gather [hbm4b:s3+s12], $0x1, s28, s12, $0xb8;
	[tilespmem:$0xE10] =	vst v63  }
0x5b: {  	_ =	swait.ge [sflag:s11], $0x80  }
0x5c: {  	[sflag:s11] =	ssyncset.done $0x0  }
0x5d: {  	[sflag:s11] =	ssyncadd.s32 $0xFFFFFF80  }
0x5e: {  	_ =	swait.ge [sflag:s11], $0x80  }
0x5f: {  	[sflag:s11] =	ssyncset.done $0x0  }
0x60: {  	[sflag:s11] =	ssyncadd.s32 $0xFFFFFF80  }
0x61: {  	_ =	swait.ge [sflag:s11], $0x80  }
0x62: {  	[sflag:s11] =	ssyncset.done $0x0  }
0x63: {  	[sflag:s11] =	ssyncadd.s32 $0xFFFFFF80  }
0x64: {  	_ =	swait.ge [sflag:s11], $0x80  }
0x65: {  	[sflag:s11] =	ssyncset.done $0x0  }
0x66: {  	[sflag:s11] =	ssyncadd.s32 $0xFFFFFF80  }
0x67: {  	_ =	swait.ge [sflag:s11], $0x80  }
0x68: {  	[sflag:s11] =	ssyncset.done $0x0  }
0x69: {  	[sflag:s11] =	ssyncadd.s32 $0xFFFFFF80  }
0x6a: {  	_ =	swait.ge [sflag:s11], $0x80  }
0x6b: {  	[sflag:s11] =	ssyncset.done $0x0  }
0x6c: {  	[sflag:s11] =	ssyncadd.s32 $0xFFFFFF80  }
0x6d: {  	_ =	swait.ge [sflag:s11], $0x80  }
0x6e: {  	[sflag:s11] =	ssyncset.done $0x0  }
0x6f: {  	[sflag:s11] =	ssyncadd.s32 $0xFFFFFF80  }
0x70: {  	_ =	swait.ge [sflag:s11], $0x80  }
0x71: {  	[sflag:s11] =	ssyncset.done $0x0  }
0x72: {  	s10 =	simm.s32 $0x0;
	[sflag:s11] =	ssyncadd.s32 $0xFFFFFF80  }
0x73: {  	v0 =	vld [tilespmem:s10+$0xA00]  }
0x74: {  	v1 =	vld [tilespmem:s10+$0xC00];
	_ =	sdelay $0x3  }
0x75: {  	v10 =	vmax.f32 v0, $9.999999960e-13  }
0x76: {  	v11 =	vmax.f32 v1, $9.999999960e-13;
	v0 =	vshra.s32 v10, $0x1  }
0x77: {  	s13 =	simm.s32 $0x10;
	v4 =	vmul.f32 $5.000000000e-01, v10;
	v1 =	vshra.s32 v11, $0x1;
	v5 =	vmul.f32 $5.000000000e-01, v11  }
0x78: {  	v2 =	vsub.s32 $0x5F3759DF, v0;
	v3 =	vsub.s32 $0x5F3759DF, v1;
	v0 =	vld [tilespmem:s13+$0xA00]  }
0x79: {  	v7 =	vld [tilespmem:s13+$0xC00];
	v1 =	vmul.f32 v2, v4;
	v6 =	vmul.f32 v3, v5;
	_ =	sdelay $0x1  }
0x7a: {  	v1 =	vmul.f32 v2, v1;
	v6 =	vmul.f32 v3, v6;
	_ =	sdelay $0x1  }
0x7b: {  	v8 =	vsub.f32 $1.500000000e+00, v1;
	v6 =	vsub.f32 $1.500000000e+00, v6;
	v0 =	vmax.f32 v0, $9.999999960e-13  }
0x7c: {  	v1 =	vmax.f32 v7, $9.999999960e-13;
	v9 =	vshra.s32 v0, $0x1;
	v15 =	vmul.f32 $5.000000000e-01, v0  }
0x7d: {  	s14 =	simm.s32 $0x20;
	v7 =	vshra.s32 v1, $0x1;
	v16 =	vmul.f32 $5.000000000e-01, v1;
	v9 =	vsub.s32 $0x5F3759DF, v9  }
0x7e: {  	v12 =	vmul.f32 v2, v8;
	v13 =	vsub.s32 $0x5F3759DF, v7;
	v7 =	vld [tilespmem:s14+$0xA00];
	v6 =	vmul.f32 v3, v6  }
0x7f: {  	v8 =	vld [tilespmem:s14+$0xC00];
	v2 =	vmul.f32 v9, v15;
	v3 =	vmul.f32 v13, v16  }
0x80: {  	v14 =	vmul.f32 v12, v4;
	v17 =	vmul.f32 v6, v5  }
0x81: {  	v2 =	vmul.f32 v9, v2;
	v3 =	vmul.f32 v13, v3  }
0x82: {  	v14 =	vmul.f32 v14, v12;
	v17 =	vmul.f32 v17, v6  }
0x83: {  	v18 =	vsub.f32 $1.500000000e+00, v2;
	v19 =	vsub.f32 $1.500000000e+00, v3;
	v3 =	vmax.f32 v7, $9.999999960e-13  }
0x84: {  	v2 =	vmax.f32 v8, $9.999999960e-13;
	v20 =	vshra.s32 v3, $0x1;
	v7 =	vmul.f32 $5.000000000e-01, v3  }
0x85: {  	s15 =	simm.s32 $0x30;
	v21 =	vshra.s32 v2, $0x1;
	v8 =	vmul.f32 $5.000000000e-01, v2;
	v14 =	vsub.f32 $1.500000000e+00, v14  }
0x86: {  	v22 =	vld [tilespmem:s15+$0xA00];
	v17 =	vsub.f32 $1.500000000e+00, v17;
	v20 =	vsub.s32 $0x5F3759DF, v20;
	v18 =	vmul.f32 v9, v18  }
0x87: {  	v21 =	vsub.s32 $0x5F3759DF, v21;
	v19 =	vmul.f32 v13, v19;
	v9 =	vmul.f32 v20, v7  }
0x88: {  	v13 =	vmul.f32 v21, v8;
	v25 =	vmul.f32 v14, v12  }
0x89: {  	v26 =	vmul.f32 v17, v6;
	v23 =	vmul.f32 v18, v15  }
0x8a: {  	v14 =	vld [tilespmem:s15+$0xC00];
	v24 =	vmul.f32 v19, v16;
	v9 =	vmul.f32 v20, v9  }
0x8b: {  	v13 =	vmul.f32 v21, v13;
	v17 =	vmul.f32 v25, v4;
	v4 =	vmax.f32 v22, $9.999999960e-13  }
0x8c: {  	v23 =	vmul.f32 v23, v18;
	v24 =	vmul.f32 v24, v19;
	v9 =	vsub.f32 $1.500000000e+00, v9  }
0x8d: {  	v22 =	vshra.s32 v4, $0x1;
	v6 =	vsub.f32 $1.500000000e+00, v13;
	v17 =	vmul.f32 v17, v25  }
0x8e: {  	v12 =	vmul.f32 v20, v9;
	v20 =	vsub.f32 $1.500000000e+00, v23;
	v9 =	vmul.f32 $5.000000000e-01, v4  }
0x8f: {  	v23 =	vmul.f32 v26, v5;
	v13 =	vmul.f32 v21, v6;
	v5 =	vmax.f32 v14, $9.999999960e-13  }
0x90: {  	v21 =	vsub.s32 $0x5F3759DF, v22;
	v30 =	vsub.f32 $1.500000000e+00, v17;
	v14 =	vmul.f32 $5.000000000e-01, v5  }
0x91: {  	v27 =	vshra.s32 v5, $0x1;
	v6 =	vmul.f32 v12, v7;
	v22 =	vmul.f32 v21, v9  }
0x92: {  	v23 =	vmul.f32 v23, v26;
	v27 =	vsub.s32 $0x5F3759DF, v27;
	v31 =	vmul.f32 v13, v8  }
0x93: {  	s16 =	simm.s32 $0x40;
	v17 =	vmul.f32 v20, v18;
	v18 =	vsub.f32 $1.500000000e+00, v24;
	v25 =	vmul.f32 v30, v25  }
0x94: {  	v24 =	vld [tilespmem:s16+$0xA00];
	v29 =	vmul.f32 v27, v14;
	v22 =	vmul.f32 v21, v22  }
0x95: {  	v28 =	vmul.f32 v6, v12;
	v6 =	vimm.f32 $0.0e+00;
	v19 =	vmul.f32 v18, v19  }
0x96: {  	v30 =	vld [tilespmem:s16+$0xC00];
	v23 =	vsub.f32 $1.500000000e+00, v23;
	v15 =	vmul.f32 v17, v15;
	v20 =	vmul.f32 v27, v29  }
0x97: {  	v25 =	vmul.f32 v25, v10;
	v29 =	vmul.f32 v31, v13;
	v22 =	vsub.f32 $1.500000000e+00, v22  }
0x98: {  	v23 =	vmul.f32 v23, v26;
	v26 =	vmul.f32 v19, v16;
	v18 =	vsub.f32 $1.500000000e+00, v20  }
0x99: {  	v10 =	vmax.f32 v24, $9.999999960e-13;
	v20 =	vmul.f32 v21, v22;
	v22 =	vsub.f32 $1.500000000e+00, v28  }
0x9a: {  	v21 =	vsub.f32 $1.500000000e+00, v29;
	v24 =	vmul.f32 v23, v11;
	v23 =	vshra.s32 v10, $0x1  }
0x9b: {  	v11 =	vmax.f32 v30, $9.999999960e-13;
	v30 =	vmul.f32 v15, v17;
	v16 =	vmul.f32 v27, v18  }
0x9c: {  	v18 =	vmul.f32 $5.000000000e-01, v10;
	v27 =	vmul.f32 v26, v19;
	v24 =	vsub.f32 v25, v24  }
0x9d: {  	v23 =	vsub.s32 $0x5F3759DF, v23;
	v15 =	vmul.f32 $5.000000000e-01, v11;
	v29 =	vmul.f32 v20, v9  }
0x9e: {  	v25 =	vshra.s32 v11, $0x1;
	v28 =	vmul.f32 v23, v18;
	v24 =	vadd.f32 $1.000000000e+00, v24  }
0x9f: {  	v30 =	vsub.f32 $1.500000000e+00, v30;
	v25 =	vsub.s32 $0x5F3759DF, v25;
	v26 =	vmul.f32 v29, v20  }
0xa0: {  	s1 =	simm.s32 $0x140;
	v29 =	vmul.f32 v25, v15;
	v28 =	vmul.f32 v23, v28;
	v24 =	vmax.f32 v24, $0.0e+00  }
.LBB2_4:
0xa1: {  	s9 =	sshra.s32 s1, $0x2;
	p0 =	sne.s32 s1, $0x7C0;
	s1 =	sadd.s32 $0x40, s1;
	v31 =	vmul.f32 v16, v14;
	v22 =	vmul.f32 v22, v12;
	v6 =	vadd.f32 v24, v6;
	v12 =	vmovc v20  }
0xa2: {  	v27 =	vsub.f32 $1.500000000e+00, v27;
	v24 =	vld [tilespmem:s9+$0xA00];
	v20 =	vmul.f32 v25, v29;
	v29 =	vmul.f32 v30, v17  }
0xa3: {  	v28 =	vsub.f32 $1.500000000e+00, v28;
	v21 =	vmul.f32 v21, v13;
	v13 =	vmovc v16;
	v30 =	vld [tilespmem:s9+$0xC00];
	v31 =	vmul.f32 v31, v16;
	v17 =	vmovc v22  }
0xa4: {  	v27 =	vmul.f32 v27, v19;
	v16 =	vsub.f32 $1.500000000e+00, v20;
	v32 =	vmul.f32 v17, v7;
	v7 =	vmovc v9;
	v9 =	vmovc v18  }
0xa5: {  	v22 =	vsub.f32 $1.500000000e+00, v26;
	v26 =	vmul.f32 v21, v8;
	v19 =	vmovc v21;
	v8 =	vmovc v14;
	v20 =	vmul.f32 v23, v28  }
0xa6: {  	v21 =	vsub.f32 $1.500000000e+00, v31;
	v31 =	vmul.f32 v29, v0;
	v0 =	vmovc v3;
	v3 =	vmovc v4;
	v16 =	vmul.f32 v25, v16  }
0xa7: {  	v4 =	vmovc v10;
	v29 =	vmul.f32 v20, v9;
	v25 =	vmul.f32 v27, v1;
	v1 =	vmovc v2;
	v10 =	vmax.f32 v24, $9.999999960e-13  }
0xa8: {  	v2 =	vmovc v5;
	v5 =	vmovc v11;
	v24 =	vmul.f32 v32, v17;
	v23 =	vshra.s32 v10, $0x1;
	v18 =	vmul.f32 $5.000000000e-01, v10  }
.Ltmp1:
0xa9: {  	v14 =	vmovc v15;
	v11 =	vmax.f32 v30, $9.999999960e-13;
	v28 =	vsub.f32 v31, v25;
	v23 =	vsub.s32 $0x5F3759DF, v23;
	(pc) =	sbr.rel @p0 .LBB2_4-.Ltmp1, $4  }
0xaa: {  	v27 =	vmul.f32 v26, v19;
	v15 =	vshra.s32 v11, $0x1;
	v30 =	vmul.f32 v23, v18  }
0xab: {  	v25 =	vsub.s32 $0x5F3759DF, v15;
	v15 =	vmul.f32 $5.000000000e-01, v11;
	v31 =	vadd.f32 $1.000000000e+00, v28  }
0xac: {  	v26 =	vmul.f32 v29, v20;
	v28 =	vmul.f32 v23, v30  }
0xad: {  	v29 =	vmul.f32 v25, v15;
	v30 =	vsub.f32 $1.500000000e+00, v24;
	v24 =	vmax.f32 v31, $0.0e+00  }
0xae: {  	v31 =	vmul.f32 v16, v14;
	v12 =	vmul.f32 v22, v12  }
0xaf: {  	v27 =	vsub.f32 $1.500000000e+00, v27;
	v13 =	vmul.f32 v21, v13;
	v41 =	vmul.f32 v25, v29  }
0xb0: {  	v28 =	vsub.f32 $1.500000000e+00, v28;
	v17 =	vmul.f32 v30, v17;
	v42 =	vmul.f32 v31, v16  }
0xb1: {  	v7 =	vmul.f32 v12, v7;
	v19 =	vmul.f32 v27, v19;
	v43 =	vsub.f32 $1.500000000e+00, v41  }
0xb2: {  	v45 =	vsub.f32 $1.500000000e+00, v26;
	v44 =	vmul.f32 v23, v28;
	v8 =	vmul.f32 v13, v8  }
0xb3: {  	v0 =	vmul.f32 v17, v0;
	v21 =	vmul.f32 v25, v43  }
0xb4: {  	v17 =	vmul.f32 v45, v20;
	v7 =	vmul.f32 v7, v12  }
0xb5: {  	v23 =	vmul.f32 v44, v18;
	v46 =	vmul.f32 v21, v15  }
0xb6: {  	v1 =	vmul.f32 v19, v1;
	v8 =	vmul.f32 v8, v13;
	v47 =	vsub.f32 $1.500000000e+00, v42  }
0xb7: {  	v7 =	vsub.f32 $1.500000000e+00, v7;
	v23 =	vmul.f32 v23, v44;
	v48 =	vmul.f32 v46, v21  }
0xb8: {  	v9 =	vmul.f32 v17, v9;
	v49 =	vmul.f32 v47, v16  }
0xb9: {  	v7 =	vmul.f32 v7, v12;
	v50 =	vsub.f32 $1.500000000e+00, v23;
	v12 =	vsub.f32 $1.500000000e+00, v48  }
0xba: {  	v8 =	vsub.f32 $1.500000000e+00, v8;
	v9 =	vmul.f32 v9, v17;
	v51 =	vmul.f32 v49, v14  }
0xbb: {  	v52 =	vmul.f32 v50, v44;
	v12 =	vmul.f32 v12, v21  }
0xbc: {  	v0 =	vsub.f32 v0, v1;
	v8 =	vmul.f32 v8, v13;
	v53 =	vmul.f32 v51, v49  }
0xbd: {  	v56 =	vsub.f32 $1.500000000e+00, v9;
	v54 =	vmul.f32 v52, v18;
	v55 =	vmul.f32 v12, v15  }
0xbe: {  	v3 =	vmul.f32 v7, v3;
	v2 =	vmul.f32 v8, v2;
	v57 =	vsub.f32 $1.500000000e+00, v53  }
0xbf: {  	v1 =	vmul.f32 v54, v52;
	v58 =	vmul.f32 v55, v12  }
0xc0: {  	v0 =	vadd.f32 $1.000000000e+00, v0;
	v8 =	vmul.f32 v56, v17;
	v9 =	vmul.f32 v57, v49  }
0xc1: {  	v1 =	vsub.f32 $1.500000000e+00, v1;
	v13 =	vsub.f32 $1.500000000e+00, v58  }
0xc2: {  	v2 =	vsub.f32 v3, v2;
	v59 =	vmul.f32 v8, v4;
	v60 =	vmul.f32 v9, v5  }
0xc3: {  	v1 =	vmul.f32 v1, v52;
	v61 =	vmul.f32 v13, v12  }
0xc4: {  	v6 =	vadd.f32 v24, v6;
	v0 =	vmax.f32 v0, $0.0e+00;
	v2 =	vadd.f32 $1.000000000e+00, v2  }
0xc5: {  	v3 =	vsub.f32 v59, v60;
	v1 =	vmul.f32 v1, v10;
	v62 =	vmul.f32 v61, v11  }
0xc6: {  	v0 =	vadd.f32 v0, v6  }
0xc7: {  	v2 =	vmax.f32 v2, $0.0e+00;
	v3 =	vadd.f32 $1.000000000e+00, v3;
	v1 =	vsub.f32 v1, v62  }
0xc8: {  	v0 =	vadd.f32 v2, v0  }
0xc9: {  	v63 =	vmax.f32 v3, $0.0e+00;
	v1 =	vadd.f32 $1.000000000e+00, v1  }
0xca: {  	v0 =	vadd.f32 v63, v0  }
0xcb: {  	v1 =	vmax.f32 v1, $0.0e+00  }
0xcc: {  	s0 =	sadd.s32 $0x1, s0;
	v0 =	vadd.f32 v1, v0  }
0xcd: {  	p0 =	sne.s32 s0, s8  }
.Ltmp2:
0xce: {  	[tilespmem:$0xE00] =	vst v0;
	(pc) =	sbr.rel @p0 .LBB2_1-.Ltmp2, $4  }
0xcf: {  	[hbm4b:s7+s2] =	stream.linear.scatter [tilespmem:s30], [sflag:$0x2], $0x10, $0x38;
	[tilespmem:$0xE10] =	vst v63  }
0xd0: {  	_ =	swait.ge [sflag:s31], $0x10  }
0xd1: {  	[sflag:s31] =	ssyncset.done $0x0  }
0xd2: {  	[sflag:s31] =	ssyncadd.s32 $0xFFFFFFF0  }
0xd3: {  	_ =	sfence.sel $0x180000  }
0xd4: {  	[bflag:$0x0] =	sbarrier.arrive $0xFFFF  }
0xd5: {  	_ =	strace $0x90000047  }
0xd6: {  	s0 =	stileid.u32;
	[bflag:$0x2] =	sbarrier.arrive $0xFFFF  }
0xd7: {  	p0 =	sne.s32 s0, $0x0;
	s0 =	rddreg [dreg:$0x4]  }
0xd8: {  	s0 =	sadd.s32 @!p0 $0x100000, s0  }
0xd9: {  	[sflag:s0] =	ssyncadd.tile.s32 @!p0 $0x1;
	_ =	shalt  }
.Lfunc_end2:
_tile_overlayer_lowered:
.L_overlay_start_2:
0xda: {  	(tag) =	ssettag $0x2  }
0xdb: {  	s0 =	rddreg [dreg:$0x0];
	s2 =	stileid.u32  }
0xdc: {  	s1 =	rddreg [dreg:$0x1];
	p0 =	sne.s32 s2, $0x0  }
0xdd: {  	s3 =	rddreg [dreg:$0x2];
	[bflag:$0x3] =	sbarrier.arrive $0xFFFF;
	s2 =	simm.s32 @!p0 $0x1C02  }
0xde: {  	[timem:s3], [sflag:s2] =	dma.local @!p0 [hbm:s0], s1  }
0xdf: {  	s0 =	simm.s32 @!p0 $0x2  }
0xe0: {  	_ =	swait.ge @!p0 [sflag:s0], s1  }
0xe1: {  	s1 =	ssub.s32 @!p0 $0x0, s1;
	[sflag:s0] =	ssyncset.done @!p0 $0x0  }
0xe2: {  	[sflag:s0] =	ssyncadd.s32 @!p0 s1  }
0xe3: {  	[bflag:$0x3] =	sbarrier.arrive $0xFFFF  }
0xe4: {  	_ =	shalt  }

</sc_bundles>
